<compile_context>
chip_gen: v7x
topology: tpu7x:2x2x1
jax: 0.10.2.dev20260603
libtpu: 0.0.44.dev20260713+nightly
codegen_flags: <defaults>
</compile_context>

<pallas_src>
import functools

import jax
import jax.numpy as jnp
from jax import lax
from jax.experimental import pallas as pl
from jax.experimental.pallas import tpu as pltpu
from jax.experimental.pallas import tpu_sc as plsc

DIM = 128
NBUF = 7
SPLIT = 1
NC = 2
NS = 16
NW = NC * NS


@functools.lru_cache(maxsize=None)
def _make_embed(n, p):
    rows_per_w = n // NW
    sub = rows_per_w // SPLIT
    assert sub % 8 == 0 and sub <= 128
    nchunks = p * SPLIT
    laps = -(-nchunks // NBUF)

    mesh = plsc.VectorSubcoreMesh(core_axis_name="c", subcore_axis_name="s")

    @functools.partial(
        pl.kernel,
        mesh=mesh,
        out_type=jax.ShapeDtypeStruct((p, n, DIM), jnp.float32),
        scratch_types=(
            [pltpu.VMEM((p * rows_per_w,), jnp.int32)]
            + [pltpu.VMEM((sub, DIM), jnp.float32) for _ in range(NBUF)]
            + [pltpu.SemaphoreType.DMA for _ in range(2 * NBUF)]
        ),
    )
    def embed(idx_hbm, table_hbm, out_hbm, idx_v, *rest):
        bufs = rest[:NBUF]
        gsem = rest[NBUF:2 * NBUF]
        osem = rest[2 * NBUF:]
        wid = lax.axis_index("s") * NC + lax.axis_index("c")
        row0 = pl.multiple_of(wid * rows_per_w, rows_per_w)

        pltpu.sync_copy(
            idx_hbm.at[pl.ds(pl.multiple_of(wid * p * rows_per_w, 8),
                             p * rows_per_w)],
            idx_v)

        def idx_slice(c):
            return idx_v.at[pl.ds(pl.multiple_of(c * sub, 8), sub)]

        def gather_start(c, b):
            pltpu.async_copy(table_hbm.at[idx_slice(c)], bufs[b], gsem[b])

        def gather_wait(b):
            pltpu.make_async_copy(
                table_hbm.at[idx_slice(0)], bufs[b], gsem[b]).wait()

        def write_start(c, b):
            j = c // SPLIT
            h = c - j * SPLIT
            pltpu.async_copy(
                bufs[b],
                out_hbm.at[j, pl.ds(row0 + pl.multiple_of(h * sub, 8), sub)],
                osem[b])

        def write_wait(b):
            pltpu.make_async_copy(
                bufs[b], out_hbm.at[0, pl.ds(0, sub)], osem[b]).wait()

        for b in range(min(NBUF, nchunks)):
            gather_start(b, b)

        LAG = NBUF // 2

        def refill(j0, b2):
            nxt = j0 + NBUF + b2

            @pl.when(nxt < nchunks)
            def _():
                write_wait(b2)
                gather_start(nxt, b2)

        def lap(jl, carry):
            j0 = jl * NBUF
            for b in range(NBUF):
                j = j0 + b

                @pl.when(j < nchunks)
                def _():
                    gather_wait(b)
                    write_start(j, b)
                if b >= LAG:
                    refill(j0, b - LAG)
            for b2 in range(NBUF - LAG, NBUF):
                refill(j0, b2)
            return carry

        lax.fori_loop(0, laps, lap, 0)
        for b in range(min(NBUF, nchunks)):
            write_wait(b)

    return embed


def kernel(input, table):
    n, p = input.shape
    idx = (input.astype(jnp.int32)
           .reshape(NW, n // NW, p)
           .transpose(0, 2, 1)
           .reshape(n * p))
    out_t = _make_embed(n, p)(idx, table.astype(jnp.float32))
    return out_t.transpose(1, 0, 2)

# --- scband reference (transcript-rebuilt; emitter-appended) ---
"""Pipeline reference for scband-embed-69114613729115 (READ-ONLY COPY).

The authoritative reference and input builder live on the scoring server;
editing this copy changes nothing except your own understanding.
"""

import jax, jax.numpy as jnp
import numpy as np

VOCAB = 100000
DIM = 128

def setup_inputs(seed: int = 0) -> dict:
    key = jax.random.key(seed)
    k_idx, k_tab = jax.random.split(key)
    input_idx = jax.random.randint(k_idx, (4096, 50), 0, VOCAB, dtype=jnp.int64 if jax.config.jax_enable_x64 else jnp.int32)
    table = jax.random.normal(k_tab, (VOCAB, DIM), dtype=jnp.float32)
    return {"input": input_idx, "table": table}

def reference(input, table):
    # nn.Embedding forward: gather rows of the embedding table
    embedOut = jnp.take(table, input, axis=0)
    return embedOut

if __name__ == "__main__":
    import jax
    _d = setup_inputs()
    print(jax.jit(kernel)(*tuple(_d.values())))

</pallas_src>

<mosaic_0001>
#map = affine_map<(d0, d1) -> (0)>
#map1 = affine_map<(d0, d1) -> (0, 0)>
#map2 = affine_map<(d0, d1) -> (0, 0, 0)>
module attributes {stable_mosaic.version = 14 : i64} {
  func.func @embed(%arg0: i32, %arg1: i32, %arg2: memref<204800xi32, #tpu.memory_space<hbm>>, %arg3: memref<100000x128xf32, #tpu.memory_space<hbm>>, %arg4: memref<50x4096x128xf32, #tpu.memory_space<hbm>>, %arg5: memref<6400xi32, #tpu.memory_space<vmem>>, %arg6: memref<128x128xf32, #tpu.memory_space<vmem>>, %arg7: memref<128x128xf32, #tpu.memory_space<vmem>>, %arg8: memref<128x128xf32, #tpu.memory_space<vmem>>, %arg9: memref<128x128xf32, #tpu.memory_space<vmem>>, %arg10: memref<128x128xf32, #tpu.memory_space<vmem>>, %arg11: memref<128x128xf32, #tpu.memory_space<vmem>>, %arg12: memref<128x128xf32, #tpu.memory_space<vmem>>, %arg13: memref<!tpu.dma_semaphore, #tpu.memory_space<semaphore_mem>>, %arg14: memref<!tpu.dma_semaphore, #tpu.memory_space<semaphore_mem>>, %arg15: memref<!tpu.dma_semaphore, #tpu.memory_space<semaphore_mem>>, %arg16: memref<!tpu.dma_semaphore, #tpu.memory_space<semaphore_mem>>, %arg17: memref<!tpu.dma_semaphore, #tpu.memory_space<semaphore_mem>>, %arg18: memref<!tpu.dma_semaphore, #tpu.memory_space<semaphore_mem>>, %arg19: memref<!tpu.dma_semaphore, #tpu.memory_space<semaphore_mem>>, %arg20: memref<!tpu.dma_semaphore, #tpu.memory_space<semaphore_mem>>, %arg21: memref<!tpu.dma_semaphore, #tpu.memory_space<semaphore_mem>>, %arg22: memref<!tpu.dma_semaphore, #tpu.memory_space<semaphore_mem>>, %arg23: memref<!tpu.dma_semaphore, #tpu.memory_space<semaphore_mem>>, %arg24: memref<!tpu.dma_semaphore, #tpu.memory_space<semaphore_mem>>, %arg25: memref<!tpu.dma_semaphore, #tpu.memory_space<semaphore_mem>>, %arg26: memref<!tpu.dma_semaphore, #tpu.memory_space<semaphore_mem>>) attributes {dimension_semantics = [#tpu.dimension_semantics<core_parallel>, #tpu.dimension_semantics<subcore_parallel>], iteration_bounds = array<i64: 2, 16>, scalar_prefetch = 0 : i64, scratch_operands = 22 : i64, tpu.core_type = #tpu.core_type<sc_vector_subcore>, window_params = [{transform_indices = #map}, {transform_indices = #map1}, {transform_indices = #map2}]} {
    %mul3A = arith.constant 2 : i32
    %mul3A_0 = arith.muli %arg1, %mul3A : i32
    %add3A = arith.addi %mul3A_0, %arg0 : i32
    %mul3A_1 = arith.constant 128 : i32
    %mul3A_2 = arith.muli %add3A, %mul3A_1 : i32
    %multiple_of3A = tpu.assume_multiple %mul3A_2, 128 : i32
    %mul3A_3 = arith.constant 50 : i32
    %mul3A_4 = arith.muli %add3A, %mul3A_3 : i32
    %mul3A_5 = arith.constant 128 : i32
    %mul3A_6 = arith.muli %mul3A_4, %mul3A_5 : i32
    %multiple_of3A_7 = tpu.assume_multiple %mul3A_6, 8 : i32
    "tpu.region"() ({
      %run_scoped3A = tpu.sem_alloc : memref<!tpu.dma_semaphore, #tpu.memory_space<semaphore_mem>>
      %dma_start3A_116 = tpu.memref_slice %arg2[%multiple_of3A_7] : memref<204800xi32, #tpu.memory_space<hbm>> -> memref<6400xi32, #tpu.memory_space<hbm>>
      %dma_start3A_117 = tpu.memref_slice %arg2[%multiple_of3A_7] : memref<204800xi32, #tpu.memory_space<hbm>> -> memref<6400xi32, #tpu.memory_space<hbm>>
      tpu.enqueue_dma source(%dma_start3A_117 : memref<6400xi32, #tpu.memory_space<hbm>>) target(%arg5 : memref<6400xi32, #tpu.memory_space<vmem>>) target_semaphore(%run_scoped3A : memref<!tpu.dma_semaphore, #tpu.memory_space<semaphore_mem>>)
      %dma_wait3A_118 = tpu.memref_slice %arg2[%multiple_of3A_7] : memref<204800xi32, #tpu.memory_space<hbm>> -> memref<6400xi32, #tpu.memory_space<hbm>>
      %dma_wait3A_119 = tpu.memref_slice %arg2[%multiple_of3A_7] : memref<204800xi32, #tpu.memory_space<hbm>> -> memref<6400xi32, #tpu.memory_space<hbm>>
      tpu.wait_dma2 semaphore(%run_scoped3A : memref<!tpu.dma_semaphore, #tpu.memory_space<semaphore_mem>>) src(%dma_wait3A_119 : memref<6400xi32, #tpu.memory_space<hbm>>) dst(%arg5 : memref<6400xi32, #tpu.memory_space<vmem>>)
      tpu.yield
    }) : () -> ()
    %multiple_of3A_8 = arith.constant 0 : i32
    %multiple_of3A_9 = tpu.assume_multiple %multiple_of3A_8, 8 : i32
    %dma_start3A = tpu.memref_slice %arg5[%multiple_of3A_9] : memref<6400xi32, #tpu.memory_space<vmem>> -> memref<128xi32, #tpu.memory_space<vmem>>
    %dma_start3A_10 = arith.constant 0 : i32
    %dma_start3A_11 = arith.constant 0 : i32
    %dma_start3A_12 = tpu.memref_slice %arg3[%dma_start3A_10, %dma_start3A_11] : memref<100000x128xf32, #tpu.memory_space<hbm>> -> memref<100000x128xf32, #tpu.memory_space<hbm>>
    tpu.enqueue_indirect_dma source(%dma_start3A_12 : memref<100000x128xf32, #tpu.memory_space<hbm>>) target(%arg6 : memref<128x128xf32, #tpu.memory_space<vmem>>) offsets(%dma_start3A : memref<128xi32, #tpu.memory_space<vmem>>) semaphore(%arg13 : memref<!tpu.dma_semaphore, #tpu.memory_space<semaphore_mem>>)
    %multiple_of3A_13 = arith.constant 128 : i32
    %multiple_of3A_14 = tpu.assume_multiple %multiple_of3A_13, 8 : i32
    %dma_start3A_15 = tpu.memref_slice %arg5[%multiple_of3A_14] : memref<6400xi32, #tpu.memory_space<vmem>> -> memref<128xi32, #tpu.memory_space<vmem>>
    %dma_start3A_16 = arith.constant 0 : i32
    %dma_start3A_17 = arith.constant 0 : i32
    %dma_start3A_18 = tpu.memref_slice %arg3[%dma_start3A_16, %dma_start3A_17] : memref<100000x128xf32, #tpu.memory_space<hbm>> -> memref<100000x128xf32, #tpu.memory_space<hbm>>
    tpu.enqueue_indirect_dma source(%dma_start3A_18 : memref<100000x128xf32, #tpu.memory_space<hbm>>) target(%arg7 : memref<128x128xf32, #tpu.memory_space<vmem>>) offsets(%dma_start3A_15 : memref<128xi32, #tpu.memory_space<vmem>>) semaphore(%arg14 : memref<!tpu.dma_semaphore, #tpu.memory_space<semaphore_mem>>)
    %multiple_of3A_19 = arith.constant 256 : i32
    %multiple_of3A_20 = tpu.assume_multiple %multiple_of3A_19, 8 : i32
    %dma_start3A_21 = tpu.memref_slice %arg5[%multiple_of3A_20] : memref<6400xi32, #tpu.memory_space<vmem>> -> memref<128xi32, #tpu.memory_space<vmem>>
    %dma_start3A_22 = arith.constant 0 : i32
    %dma_start3A_23 = arith.constant 0 : i32
    %dma_start3A_24 = tpu.memref_slice %arg3[%dma_start3A_22, %dma_start3A_23] : memref<100000x128xf32, #tpu.memory_space<hbm>> -> memref<100000x128xf32, #tpu.memory_space<hbm>>
    tpu.enqueue_indirect_dma source(%dma_start3A_24 : memref<100000x128xf32, #tpu.memory_space<hbm>>) target(%arg8 : memref<128x128xf32, #tpu.memory_space<vmem>>) offsets(%dma_start3A_21 : memref<128xi32, #tpu.memory_space<vmem>>) semaphore(%arg15 : memref<!tpu.dma_semaphore, #tpu.memory_space<semaphore_mem>>)
    %multiple_of3A_25 = arith.constant 384 : i32
    %multiple_of3A_26 = tpu.assume_multiple %multiple_of3A_25, 8 : i32
    %dma_start3A_27 = tpu.memref_slice %arg5[%multiple_of3A_26] : memref<6400xi32, #tpu.memory_space<vmem>> -> memref<128xi32, #tpu.memory_space<vmem>>
    %dma_start3A_28 = arith.constant 0 : i32
    %dma_start3A_29 = arith.constant 0 : i32
    %dma_start3A_30 = tpu.memref_slice %arg3[%dma_start3A_28, %dma_start3A_29] : memref<100000x128xf32, #tpu.memory_space<hbm>> -> memref<100000x128xf32, #tpu.memory_space<hbm>>
    tpu.enqueue_indirect_dma source(%dma_start3A_30 : memref<100000x128xf32, #tpu.memory_space<hbm>>) target(%arg9 : memref<128x128xf32, #tpu.memory_space<vmem>>) offsets(%dma_start3A_27 : memref<128xi32, #tpu.memory_space<vmem>>) semaphore(%arg16 : memref<!tpu.dma_semaphore, #tpu.memory_space<semaphore_mem>>)
    %multiple_of3A_31 = arith.constant 512 : i32
    %multiple_of3A_32 = tpu.assume_multiple %multiple_of3A_31, 8 : i32
    %dma_start3A_33 = tpu.memref_slice %arg5[%multiple_of3A_32] : memref<6400xi32, #tpu.memory_space<vmem>> -> memref<128xi32, #tpu.memory_space<vmem>>
    %dma_start3A_34 = arith.constant 0 : i32
    %dma_start3A_35 = arith.constant 0 : i32
    %dma_start3A_36 = tpu.memref_slice %arg3[%dma_start3A_34, %dma_start3A_35] : memref<100000x128xf32, #tpu.memory_space<hbm>> -> memref<100000x128xf32, #tpu.memory_space<hbm>>
    tpu.enqueue_indirect_dma source(%dma_start3A_36 : memref<100000x128xf32, #tpu.memory_space<hbm>>) target(%arg10 : memref<128x128xf32, #tpu.memory_space<vmem>>) offsets(%dma_start3A_33 : memref<128xi32, #tpu.memory_space<vmem>>) semaphore(%arg17 : memref<!tpu.dma_semaphore, #tpu.memory_space<semaphore_mem>>)
    %multiple_of3A_37 = arith.constant 640 : i32
    %multiple_of3A_38 = tpu.assume_multiple %multiple_of3A_37, 8 : i32
    %dma_start3A_39 = tpu.memref_slice %arg5[%multiple_of3A_38] : memref<6400xi32, #tpu.memory_space<vmem>> -> memref<128xi32, #tpu.memory_space<vmem>>
    %dma_start3A_40 = arith.constant 0 : i32
    %dma_start3A_41 = arith.constant 0 : i32
    %dma_start3A_42 = tpu.memref_slice %arg3[%dma_start3A_40, %dma_start3A_41] : memref<100000x128xf32, #tpu.memory_space<hbm>> -> memref<100000x128xf32, #tpu.memory_space<hbm>>
    tpu.enqueue_indirect_dma source(%dma_start3A_42 : memref<100000x128xf32, #tpu.memory_space<hbm>>) target(%arg11 : memref<128x128xf32, #tpu.memory_space<vmem>>) offsets(%dma_start3A_39 : memref<128xi32, #tpu.memory_space<vmem>>) semaphore(%arg18 : memref<!tpu.dma_semaphore, #tpu.memory_space<semaphore_mem>>)
    %multiple_of3A_43 = arith.constant 768 : i32
    %multiple_of3A_44 = tpu.assume_multiple %multiple_of3A_43, 8 : i32
    %dma_start3A_45 = tpu.memref_slice %arg5[%multiple_of3A_44] : memref<6400xi32, #tpu.memory_space<vmem>> -> memref<128xi32, #tpu.memory_space<vmem>>
    %dma_start3A_46 = arith.constant 0 : i32
    %dma_start3A_47 = arith.constant 0 : i32
    %dma_start3A_48 = tpu.memref_slice %arg3[%dma_start3A_46, %dma_start3A_47] : memref<100000x128xf32, #tpu.memory_space<hbm>> -> memref<100000x128xf32, #tpu.memory_space<hbm>>
    tpu.enqueue_indirect_dma source(%dma_start3A_48 : memref<100000x128xf32, #tpu.memory_space<hbm>>) target(%arg12 : memref<128x128xf32, #tpu.memory_space<vmem>>) offsets(%dma_start3A_45 : memref<128xi32, #tpu.memory_space<vmem>>) semaphore(%arg19 : memref<!tpu.dma_semaphore, #tpu.memory_space<semaphore_mem>>)
    %scan3A = arith.constant 0 : i32
    %scan3A_49 = arith.constant 0 : i32
    %scan3A_50 = arith.constant 8 : i32
    %scan3A_51 = arith.addi %scan3A_49, %scan3A_50 : i32
    %scan3A_52 = arith.constant 1 : i32
    scf.for %scan3A_116 = %scan3A_49 to %scan3A_51 step %scan3A_52  : i32 {
      %mul3A_117 = arith.constant 7 : i32
      %mul3A_118 = arith.muli %scan3A_116, %mul3A_117 : i32
      %add3A_119 = arith.constant 0 : i32
      %add3A_120 = arith.addi %mul3A_118, %add3A_119 : i32
      %lt3A = arith.constant 50 : i32
      %lt3A_121 = arith.cmpi slt, %add3A_120, %lt3A : i32
      %convert_element_type3A = arith.extui %lt3A_121 : i1 to i32
      %cond3A = arith.constant 0 : i32
      %cond3A_122 = arith.cmpi ne, %convert_element_type3A, %cond3A : i32
      scf.if %cond3A_122 {
        %multiple_of3A_228 = arith.constant 0 : i32
        %multiple_of3A_229 = tpu.assume_multiple %multiple_of3A_228, 8 : i32
        %dma_wait3A_230 = tpu.memref_slice %arg5[%multiple_of3A_229] : memref<6400xi32, #tpu.memory_space<vmem>> -> memref<128xi32, #tpu.memory_space<vmem>>
        %dma_wait3A_231 = arith.constant 0 : i32
        %dma_wait3A_232 = arith.constant 0 : i32
        %dma_wait3A_233 = tpu.memref_slice %arg3[%dma_wait3A_231, %dma_wait3A_232] : memref<100000x128xf32, #tpu.memory_space<hbm>> -> memref<100000x128xf32, #tpu.memory_space<hbm>>
        tpu.wait_indirect_dma semaphore(%arg13 : memref<!tpu.dma_semaphore, #tpu.memory_space<semaphore_mem>>) src(%dma_wait3A_233 : memref<100000x128xf32, #tpu.memory_space<hbm>>) dst(%arg6 : memref<128x128xf32, #tpu.memory_space<vmem>>)
        %jit3A = arith.constant 1 : i32
        %div3A = arith.divsi %add3A_120, %jit3A : i32
        %sign3A = arith.constant 0 : i32
        %sign3A_234 = arith.cmpi sgt, %add3A_120, %sign3A : i32
        %sign3A_235 = arith.extui %sign3A_234 : i1 to i32
        %sign3A_236 = arith.constant 0 : i32
        %sign3A_237 = arith.cmpi slt, %add3A_120, %sign3A_236 : i32
        %sign3A_238 = arith.extui %sign3A_237 : i1 to i32
        %sign3A_239 = arith.subi %sign3A_235, %sign3A_238 : i32
        %sign3A_240 = arith.constant 0 : i32
        %sign3A_241 = arith.cmpi sgt, %jit3A, %sign3A_240 : i32
        %sign3A_242 = arith.extui %sign3A_241 : i1 to i32
        %sign3A_243 = arith.constant 0 : i32
        %sign3A_244 = arith.cmpi slt, %jit3A, %sign3A_243 : i32
        %sign3A_245 = arith.extui %sign3A_244 : i1 to i32
        %sign3A_246 = arith.subi %sign3A_242, %sign3A_245 : i32
        %ne3A = arith.cmpi ne, %sign3A_239, %sign3A_246 : i32
        %rem3A = arith.remsi %add3A_120, %jit3A : i32
        %ne3A_247 = arith.constant 0 : i32
        %ne3A_248 = arith.cmpi ne, %rem3A, %ne3A_247 : i32
        %and3A = arith.andi %ne3A, %ne3A_248 : i1
        %sub3A = arith.constant 1 : i32
        %sub3A_249 = arith.subi %div3A, %sub3A : i32
        %select_n3A = arith.select %and3A, %sub3A_249, %div3A : i32
        %mul3A_250 = arith.constant 1 : i32
        %mul3A_251 = arith.muli %select_n3A, %mul3A_250 : i32
        %sub3A_252 = arith.subi %add3A_120, %mul3A_251 : i32
        %mul3A_253 = arith.constant 128 : i32
        %mul3A_254 = arith.muli %sub3A_252, %mul3A_253 : i32
        %multiple_of3A_255 = tpu.assume_multiple %mul3A_254, 8 : i32
        %add3A_256 = arith.addi %multiple_of3A, %multiple_of3A_255 : i32
        %dma_start3A_257 = arith.constant 0 : i32
        %dma_start3A_258 = tpu.memref_slice %arg4[%select_n3A, %add3A_256, %dma_start3A_257] : memref<50x4096x128xf32, #tpu.memory_space<hbm>> -> memref<1x128x128xf32, #tpu.memory_space<hbm>>
        %dma_start3A_259 = tpu.memref_squeeze %dma_start3A_258 : memref<1x128x128xf32, #tpu.memory_space<hbm>> -> memref<128x128xf32, #tpu.memory_space<hbm>>
        %dma_start3A_260 = arith.constant 0 : i32
        %dma_start3A_261 = tpu.memref_slice %arg4[%select_n3A, %add3A_256, %dma_start3A_260] : memref<50x4096x128xf32, #tpu.memory_space<hbm>> -> memref<1x128x128xf32, #tpu.memory_space<hbm>>
        %dma_start3A_262 = tpu.memref_squeeze %dma_start3A_261 : memref<1x128x128xf32, #tpu.memory_space<hbm>> -> memref<128x128xf32, #tpu.memory_space<hbm>>
        tpu.enqueue_dma source(%arg6 : memref<128x128xf32, #tpu.memory_space<vmem>>) target(%dma_start3A_262 : memref<128x128xf32, #tpu.memory_space<hbm>>) target_semaphore(%arg20 : memref<!tpu.dma_semaphore, #tpu.memory_space<semaphore_mem>>)
      } else {
      }
      %add3A_123 = arith.constant 1 : i32
      %add3A_124 = arith.addi %mul3A_118, %add3A_123 : i32
      %lt3A_125 = arith.constant 50 : i32
      %lt3A_126 = arith.cmpi slt, %add3A_124, %lt3A_125 : i32
      %convert_element_type3A_127 = arith.extui %lt3A_126 : i1 to i32
      %cond3A_128 = arith.constant 0 : i32
      %cond3A_129 = arith.cmpi ne, %convert_element_type3A_127, %cond3A_128 : i32
      scf.if %cond3A_129 {
        %multiple_of3A_228 = arith.constant 0 : i32
        %multiple_of3A_229 = tpu.assume_multiple %multiple_of3A_228, 8 : i32
        %dma_wait3A_230 = tpu.memref_slice %arg5[%multiple_of3A_229] : memref<6400xi32, #tpu.memory_space<vmem>> -> memref<128xi32, #tpu.memory_space<vmem>>
        %dma_wait3A_231 = arith.constant 0 : i32
        %dma_wait3A_232 = arith.constant 0 : i32
        %dma_wait3A_233 = tpu.memref_slice %arg3[%dma_wait3A_231, %dma_wait3A_232] : memref<100000x128xf32, #tpu.memory_space<hbm>> -> memref<100000x128xf32, #tpu.memory_space<hbm>>
        tpu.wait_indirect_dma semaphore(%arg14 : memref<!tpu.dma_semaphore, #tpu.memory_space<semaphore_mem>>) src(%dma_wait3A_233 : memref<100000x128xf32, #tpu.memory_space<hbm>>) dst(%arg7 : memref<128x128xf32, #tpu.memory_space<vmem>>)
        %jit3A = arith.constant 1 : i32
        %div3A = arith.divsi %add3A_124, %jit3A : i32
        %sign3A = arith.constant 0 : i32
        %sign3A_234 = arith.cmpi sgt, %add3A_124, %sign3A : i32
        %sign3A_235 = arith.extui %sign3A_234 : i1 to i32
        %sign3A_236 = arith.constant 0 : i32
        %sign3A_237 = arith.cmpi slt, %add3A_124, %sign3A_236 : i32
        %sign3A_238 = arith.extui %sign3A_237 : i1 to i32
        %sign3A_239 = arith.subi %sign3A_235, %sign3A_238 : i32
        %sign3A_240 = arith.constant 0 : i32
        %sign3A_241 = arith.cmpi sgt, %jit3A, %sign3A_240 : i32
        %sign3A_242 = arith.extui %sign3A_241 : i1 to i32
        %sign3A_243 = arith.constant 0 : i32
        %sign3A_244 = arith.cmpi slt, %jit3A, %sign3A_243 : i32
        %sign3A_245 = arith.extui %sign3A_244 : i1 to i32
        %sign3A_246 = arith.subi %sign3A_242, %sign3A_245 : i32
        %ne3A = arith.cmpi ne, %sign3A_239, %sign3A_246 : i32
        %rem3A = arith.remsi %add3A_124, %jit3A : i32
        %ne3A_247 = arith.constant 0 : i32
        %ne3A_248 = arith.cmpi ne, %rem3A, %ne3A_247 : i32
        %and3A = arith.andi %ne3A, %ne3A_248 : i1
        %sub3A = arith.constant 1 : i32
        %sub3A_249 = arith.subi %div3A, %sub3A : i32
        %select_n3A = arith.select %and3A, %sub3A_249, %div3A : i32
        %mul3A_250 = arith.constant 1 : i32
        %mul3A_251 = arith.muli %select_n3A, %mul3A_250 : i32
        %sub3A_252 = arith.subi %add3A_124, %mul3A_251 : i32
        %mul3A_253 = arith.constant 128 : i32
        %mul3A_254 = arith.muli %sub3A_252, %mul3A_253 : i32
        %multiple_of3A_255 = tpu.assume_multiple %mul3A_254, 8 : i32
        %add3A_256 = arith.addi %multiple_of3A, %multiple_of3A_255 : i32
        %dma_start3A_257 = arith.constant 0 : i32
        %dma_start3A_258 = tpu.memref_slice %arg4[%select_n3A, %add3A_256, %dma_start3A_257] : memref<50x4096x128xf32, #tpu.memory_space<hbm>> -> memref<1x128x128xf32, #tpu.memory_space<hbm>>
        %dma_start3A_259 = tpu.memref_squeeze %dma_start3A_258 : memref<1x128x128xf32, #tpu.memory_space<hbm>> -> memref<128x128xf32, #tpu.memory_space<hbm>>
        %dma_start3A_260 = arith.constant 0 : i32
        %dma_start3A_261 = tpu.memref_slice %arg4[%select_n3A, %add3A_256, %dma_start3A_260] : memref<50x4096x128xf32, #tpu.memory_space<hbm>> -> memref<1x128x128xf32, #tpu.memory_space<hbm>>
        %dma_start3A_262 = tpu.memref_squeeze %dma_start3A_261 : memref<1x128x128xf32, #tpu.memory_space<hbm>> -> memref<128x128xf32, #tpu.memory_space<hbm>>
        tpu.enqueue_dma source(%arg7 : memref<128x128xf32, #tpu.memory_space<vmem>>) target(%dma_start3A_262 : memref<128x128xf32, #tpu.memory_space<hbm>>) target_semaphore(%arg21 : memref<!tpu.dma_semaphore, #tpu.memory_space<semaphore_mem>>)
      } else {
      }
      %add3A_130 = arith.constant 2 : i32
      %add3A_131 = arith.addi %mul3A_118, %add3A_130 : i32
      %lt3A_132 = arith.constant 50 : i32
      %lt3A_133 = arith.cmpi slt, %add3A_131, %lt3A_132 : i32
      %convert_element_type3A_134 = arith.extui %lt3A_133 : i1 to i32
      %cond3A_135 = arith.constant 0 : i32
      %cond3A_136 = arith.cmpi ne, %convert_element_type3A_134, %cond3A_135 : i32
      scf.if %cond3A_136 {
        %multiple_of3A_228 = arith.constant 0 : i32
        %multiple_of3A_229 = tpu.assume_multiple %multiple_of3A_228, 8 : i32
        %dma_wait3A_230 = tpu.memref_slice %arg5[%multiple_of3A_229] : memref<6400xi32, #tpu.memory_space<vmem>> -> memref<128xi32, #tpu.memory_space<vmem>>
        %dma_wait3A_231 = arith.constant 0 : i32
        %dma_wait3A_232 = arith.constant 0 : i32
        %dma_wait3A_233 = tpu.memref_slice %arg3[%dma_wait3A_231, %dma_wait3A_232] : memref<100000x128xf32, #tpu.memory_space<hbm>> -> memref<100000x128xf32, #tpu.memory_space<hbm>>
        tpu.wait_indirect_dma semaphore(%arg15 : memref<!tpu.dma_semaphore, #tpu.memory_space<semaphore_mem>>) src(%dma_wait3A_233 : memref<100000x128xf32, #tpu.memory_space<hbm>>) dst(%arg8 : memref<128x128xf32, #tpu.memory_space<vmem>>)
        %jit3A = arith.constant 1 : i32
        %div3A = arith.divsi %add3A_131, %jit3A : i32
        %sign3A = arith.constant 0 : i32
        %sign3A_234 = arith.cmpi sgt, %add3A_131, %sign3A : i32
        %sign3A_235 = arith.extui %sign3A_234 : i1 to i32
        %sign3A_236 = arith.constant 0 : i32
        %sign3A_237 = arith.cmpi slt, %add3A_131, %sign3A_236 : i32
        %sign3A_238 = arith.extui %sign3A_237 : i1 to i32
        %sign3A_239 = arith.subi %sign3A_235, %sign3A_238 : i32
        %sign3A_240 = arith.constant 0 : i32
        %sign3A_241 = arith.cmpi sgt, %jit3A, %sign3A_240 : i32
        %sign3A_242 = arith.extui %sign3A_241 : i1 to i32
        %sign3A_243 = arith.constant 0 : i32
        %sign3A_244 = arith.cmpi slt, %jit3A, %sign3A_243 : i32
        %sign3A_245 = arith.extui %sign3A_244 : i1 to i32
        %sign3A_246 = arith.subi %sign3A_242, %sign3A_245 : i32
        %ne3A = arith.cmpi ne, %sign3A_239, %sign3A_246 : i32
        %rem3A = arith.remsi %add3A_131, %jit3A : i32
        %ne3A_247 = arith.constant 0 : i32
        %ne3A_248 = arith.cmpi ne, %rem3A, %ne3A_247 : i32
        %and3A = arith.andi %ne3A, %ne3A_248 : i1
        %sub3A = arith.constant 1 : i32
        %sub3A_249 = arith.subi %div3A, %sub3A : i32
        %select_n3A = arith.select %and3A, %sub3A_249, %div3A : i32
        %mul3A_250 = arith.constant 1 : i32
        %mul3A_251 = arith.muli %select_n3A, %mul3A_250 : i32
        %sub3A_252 = arith.subi %add3A_131, %mul3A_251 : i32
        %mul3A_253 = arith.constant 128 : i32
        %mul3A_254 = arith.muli %sub3A_252, %mul3A_253 : i32
        %multiple_of3A_255 = tpu.assume_multiple %mul3A_254, 8 : i32
        %add3A_256 = arith.addi %multiple_of3A, %multiple_of3A_255 : i32
        %dma_start3A_257 = arith.constant 0 : i32
        %dma_start3A_258 = tpu.memref_slice %arg4[%select_n3A, %add3A_256, %dma_start3A_257] : memref<50x4096x128xf32, #tpu.memory_space<hbm>> -> memref<1x128x128xf32, #tpu.memory_space<hbm>>
        %dma_start3A_259 = tpu.memref_squeeze %dma_start3A_258 : memref<1x128x128xf32, #tpu.memory_space<hbm>> -> memref<128x128xf32, #tpu.memory_space<hbm>>
        %dma_start3A_260 = arith.constant 0 : i32
        %dma_start3A_261 = tpu.memref_slice %arg4[%select_n3A, %add3A_256, %dma_start3A_260] : memref<50x4096x128xf32, #tpu.memory_space<hbm>> -> memref<1x128x128xf32, #tpu.memory_space<hbm>>
        %dma_start3A_262 = tpu.memref_squeeze %dma_start3A_261 : memref<1x128x128xf32, #tpu.memory_space<hbm>> -> memref<128x128xf32, #tpu.memory_space<hbm>>
        tpu.enqueue_dma source(%arg8 : memref<128x128xf32, #tpu.memory_space<vmem>>) target(%dma_start3A_262 : memref<128x128xf32, #tpu.memory_space<hbm>>) target_semaphore(%arg22 : memref<!tpu.dma_semaphore, #tpu.memory_space<semaphore_mem>>)
      } else {
      }
      %add3A_137 = arith.constant 3 : i32
      %add3A_138 = arith.addi %mul3A_118, %add3A_137 : i32
      %lt3A_139 = arith.constant 50 : i32
      %lt3A_140 = arith.cmpi slt, %add3A_138, %lt3A_139 : i32
      %convert_element_type3A_141 = arith.extui %lt3A_140 : i1 to i32
      %cond3A_142 = arith.constant 0 : i32
      %cond3A_143 = arith.cmpi ne, %convert_element_type3A_141, %cond3A_142 : i32
      scf.if %cond3A_143 {
        %multiple_of3A_228 = arith.constant 0 : i32
        %multiple_of3A_229 = tpu.assume_multiple %multiple_of3A_228, 8 : i32
        %dma_wait3A_230 = tpu.memref_slice %arg5[%multiple_of3A_229] : memref<6400xi32, #tpu.memory_space<vmem>> -> memref<128xi32, #tpu.memory_space<vmem>>
        %dma_wait3A_231 = arith.constant 0 : i32
        %dma_wait3A_232 = arith.constant 0 : i32
        %dma_wait3A_233 = tpu.memref_slice %arg3[%dma_wait3A_231, %dma_wait3A_232] : memref<100000x128xf32, #tpu.memory_space<hbm>> -> memref<100000x128xf32, #tpu.memory_space<hbm>>
        tpu.wait_indirect_dma semaphore(%arg16 : memref<!tpu.dma_semaphore, #tpu.memory_space<semaphore_mem>>) src(%dma_wait3A_233 : memref<100000x128xf32, #tpu.memory_space<hbm>>) dst(%arg9 : memref<128x128xf32, #tpu.memory_space<vmem>>)
        %jit3A = arith.constant 1 : i32
        %div3A = arith.divsi %add3A_138, %jit3A : i32
        %sign3A = arith.constant 0 : i32
        %sign3A_234 = arith.cmpi sgt, %add3A_138, %sign3A : i32
        %sign3A_235 = arith.extui %sign3A_234 : i1 to i32
        %sign3A_236 = arith.constant 0 : i32
        %sign3A_237 = arith.cmpi slt, %add3A_138, %sign3A_236 : i32
        %sign3A_238 = arith.extui %sign3A_237 : i1 to i32
        %sign3A_239 = arith.subi %sign3A_235, %sign3A_238 : i32
        %sign3A_240 = arith.constant 0 : i32
        %sign3A_241 = arith.cmpi sgt, %jit3A, %sign3A_240 : i32
        %sign3A_242 = arith.extui %sign3A_241 : i1 to i32
        %sign3A_243 = arith.constant 0 : i32
        %sign3A_244 = arith.cmpi slt, %jit3A, %sign3A_243 : i32
        %sign3A_245 = arith.extui %sign3A_244 : i1 to i32
        %sign3A_246 = arith.subi %sign3A_242, %sign3A_245 : i32
        %ne3A = arith.cmpi ne, %sign3A_239, %sign3A_246 : i32
        %rem3A = arith.remsi %add3A_138, %jit3A : i32
        %ne3A_247 = arith.constant 0 : i32
        %ne3A_248 = arith.cmpi ne, %rem3A, %ne3A_247 : i32
        %and3A = arith.andi %ne3A, %ne3A_248 : i1
        %sub3A = arith.constant 1 : i32
        %sub3A_249 = arith.subi %div3A, %sub3A : i32
        %select_n3A = arith.select %and3A, %sub3A_249, %div3A : i32
        %mul3A_250 = arith.constant 1 : i32
        %mul3A_251 = arith.muli %select_n3A, %mul3A_250 : i32
        %sub3A_252 = arith.subi %add3A_138, %mul3A_251 : i32
        %mul3A_253 = arith.constant 128 : i32
        %mul3A_254 = arith.muli %sub3A_252, %mul3A_253 : i32
        %multiple_of3A_255 = tpu.assume_multiple %mul3A_254, 8 : i32
        %add3A_256 = arith.addi %multiple_of3A, %multiple_of3A_255 : i32
        %dma_start3A_257 = arith.constant 0 : i32
        %dma_start3A_258 = tpu.memref_slice %arg4[%select_n3A, %add3A_256, %dma_start3A_257] : memref<50x4096x128xf32, #tpu.memory_space<hbm>> -> memref<1x128x128xf32, #tpu.memory_space<hbm>>
        %dma_start3A_259 = tpu.memref_squeeze %dma_start3A_258 : memref<1x128x128xf32, #tpu.memory_space<hbm>> -> memref<128x128xf32, #tpu.memory_space<hbm>>
        %dma_start3A_260 = arith.constant 0 : i32
        %dma_start3A_261 = tpu.memref_slice %arg4[%select_n3A, %add3A_256, %dma_start3A_260] : memref<50x4096x128xf32, #tpu.memory_space<hbm>> -> memref<1x128x128xf32, #tpu.memory_space<hbm>>
        %dma_start3A_262 = tpu.memref_squeeze %dma_start3A_261 : memref<1x128x128xf32, #tpu.memory_space<hbm>> -> memref<128x128xf32, #tpu.memory_space<hbm>>
        tpu.enqueue_dma source(%arg9 : memref<128x128xf32, #tpu.memory_space<vmem>>) target(%dma_start3A_262 : memref<128x128xf32, #tpu.memory_space<hbm>>) target_semaphore(%arg23 : memref<!tpu.dma_semaphore, #tpu.memory_space<semaphore_mem>>)
      } else {
      }
      %add3A_144 = arith.constant 7 : i32
      %add3A_145 = arith.addi %mul3A_118, %add3A_144 : i32
      %add3A_146 = arith.constant 0 : i32
      %add3A_147 = arith.addi %add3A_145, %add3A_146 : i32
      %lt3A_148 = arith.constant 50 : i32
      %lt3A_149 = arith.cmpi slt, %add3A_147, %lt3A_148 : i32
      %convert_element_type3A_150 = arith.extui %lt3A_149 : i1 to i32
      %cond3A_151 = arith.constant 0 : i32
      %cond3A_152 = arith.cmpi ne, %convert_element_type3A_150, %cond3A_151 : i32
      scf.if %cond3A_152 {
        %dma_wait3A_228 = arith.constant 0 : i32
        %dma_wait3A_229 = arith.constant 0 : i32
        %dma_wait3A_230 = arith.constant 0 : i32
        %dma_wait3A_231 = tpu.memref_slice %arg4[%dma_wait3A_228, %dma_wait3A_229, %dma_wait3A_230] : memref<50x4096x128xf32, #tpu.memory_space<hbm>> -> memref<1x128x128xf32, #tpu.memory_space<hbm>>
        %dma_wait3A_232 = tpu.memref_squeeze %dma_wait3A_231 : memref<1x128x128xf32, #tpu.memory_space<hbm>> -> memref<128x128xf32, #tpu.memory_space<hbm>>
        %dma_wait3A_233 = arith.constant 0 : i32
        %dma_wait3A_234 = arith.constant 0 : i32
        %dma_wait3A_235 = tpu.memref_slice %arg4[%dma_wait3A_228, %dma_wait3A_233, %dma_wait3A_234] : memref<50x4096x128xf32, #tpu.memory_space<hbm>> -> memref<1x128x128xf32, #tpu.memory_space<hbm>>
        %dma_wait3A_236 = tpu.memref_squeeze %dma_wait3A_235 : memref<1x128x128xf32, #tpu.memory_space<hbm>> -> memref<128x128xf32, #tpu.memory_space<hbm>>
        tpu.wait_dma2 semaphore(%arg20 : memref<!tpu.dma_semaphore, #tpu.memory_space<semaphore_mem>>) src(%arg6 : memref<128x128xf32, #tpu.memory_space<vmem>>) dst(%dma_wait3A_236 : memref<128x128xf32, #tpu.memory_space<hbm>>)
        %mul3A_237 = arith.constant 128 : i32
        %mul3A_238 = arith.muli %add3A_147, %mul3A_237 : i32
        %multiple_of3A_239 = tpu.assume_multiple %mul3A_238, 8 : i32
        %dma_start3A_240 = tpu.memref_slice %arg5[%multiple_of3A_239] : memref<6400xi32, #tpu.memory_space<vmem>> -> memref<128xi32, #tpu.memory_space<vmem>>
        %dma_start3A_241 = arith.constant 0 : i32
        %dma_start3A_242 = arith.constant 0 : i32
        %dma_start3A_243 = tpu.memref_slice %arg3[%dma_start3A_241, %dma_start3A_242] : memref<100000x128xf32, #tpu.memory_space<hbm>> -> memref<100000x128xf32, #tpu.memory_space<hbm>>
        tpu.enqueue_indirect_dma source(%dma_start3A_243 : memref<100000x128xf32, #tpu.memory_space<hbm>>) target(%arg6 : memref<128x128xf32, #tpu.memory_space<vmem>>) offsets(%dma_start3A_240 : memref<128xi32, #tpu.memory_space<vmem>>) semaphore(%arg13 : memref<!tpu.dma_semaphore, #tpu.memory_space<semaphore_mem>>)
      } else {
      }
      %add3A_153 = arith.constant 4 : i32
      %add3A_154 = arith.addi %mul3A_118, %add3A_153 : i32
      %lt3A_155 = arith.constant 50 : i32
      %lt3A_156 = arith.cmpi slt, %add3A_154, %lt3A_155 : i32
      %convert_element_type3A_157 = arith.extui %lt3A_156 : i1 to i32
      %cond3A_158 = arith.constant 0 : i32
      %cond3A_159 = arith.cmpi ne, %convert_element_type3A_157, %cond3A_158 : i32
      scf.if %cond3A_159 {
        %multiple_of3A_228 = arith.constant 0 : i32
        %multiple_of3A_229 = tpu.assume_multiple %multiple_of3A_228, 8 : i32
        %dma_wait3A_230 = tpu.memref_slice %arg5[%multiple_of3A_229] : memref<6400xi32, #tpu.memory_space<vmem>> -> memref<128xi32, #tpu.memory_space<vmem>>
        %dma_wait3A_231 = arith.constant 0 : i32
        %dma_wait3A_232 = arith.constant 0 : i32
        %dma_wait3A_233 = tpu.memref_slice %arg3[%dma_wait3A_231, %dma_wait3A_232] : memref<100000x128xf32, #tpu.memory_space<hbm>> -> memref<100000x128xf32, #tpu.memory_space<hbm>>
        tpu.wait_indirect_dma semaphore(%arg17 : memref<!tpu.dma_semaphore, #tpu.memory_space<semaphore_mem>>) src(%dma_wait3A_233 : memref<100000x128xf32, #tpu.memory_space<hbm>>) dst(%arg10 : memref<128x128xf32, #tpu.memory_space<vmem>>)
        %jit3A = arith.constant 1 : i32
        %div3A = arith.divsi %add3A_154, %jit3A : i32
        %sign3A = arith.constant 0 : i32
        %sign3A_234 = arith.cmpi sgt, %add3A_154, %sign3A : i32
        %sign3A_235 = arith.extui %sign3A_234 : i1 to i32
        %sign3A_236 = arith.constant 0 : i32
        %sign3A_237 = arith.cmpi slt, %add3A_154, %sign3A_236 : i32
        %sign3A_238 = arith.extui %sign3A_237 : i1 to i32
        %sign3A_239 = arith.subi %sign3A_235, %sign3A_238 : i32
        %sign3A_240 = arith.constant 0 : i32
        %sign3A_241 = arith.cmpi sgt, %jit3A, %sign3A_240 : i32
        %sign3A_242 = arith.extui %sign3A_241 : i1 to i32
        %sign3A_243 = arith.constant 0 : i32
        %sign3A_244 = arith.cmpi slt, %jit3A, %sign3A_243 : i32
        %sign3A_245 = arith.extui %sign3A_244 : i1 to i32
        %sign3A_246 = arith.subi %sign3A_242, %sign3A_245 : i32
        %ne3A = arith.cmpi ne, %sign3A_239, %sign3A_246 : i32
        %rem3A = arith.remsi %add3A_154, %jit3A : i32
        %ne3A_247 = arith.constant 0 : i32
        %ne3A_248 = arith.cmpi ne, %rem3A, %ne3A_247 : i32
        %and3A = arith.andi %ne3A, %ne3A_248 : i1
        %sub3A = arith.constant 1 : i32
        %sub3A_249 = arith.subi %div3A, %sub3A : i32
        %select_n3A = arith.select %and3A, %sub3A_249, %div3A : i32
        %mul3A_250 = arith.constant 1 : i32
        %mul3A_251 = arith.muli %select_n3A, %mul3A_250 : i32
        %sub3A_252 = arith.subi %add3A_154, %mul3A_251 : i32
        %mul3A_253 = arith.constant 128 : i32
        %mul3A_254 = arith.muli %sub3A_252, %mul3A_253 : i32
        %multiple_of3A_255 = tpu.assume_multiple %mul3A_254, 8 : i32
        %add3A_256 = arith.addi %multiple_of3A, %multiple_of3A_255 : i32
        %dma_start3A_257 = arith.constant 0 : i32
        %dma_start3A_258 = tpu.memref_slice %arg4[%select_n3A, %add3A_256, %dma_start3A_257] : memref<50x4096x128xf32, #tpu.memory_space<hbm>> -> memref<1x128x128xf32, #tpu.memory_space<hbm>>
        %dma_start3A_259 = tpu.memref_squeeze %dma_start3A_258 : memref<1x128x128xf32, #tpu.memory_space<hbm>> -> memref<128x128xf32, #tpu.memory_space<hbm>>
        %dma_start3A_260 = arith.constant 0 : i32
        %dma_start3A_261 = tpu.memref_slice %arg4[%select_n3A, %add3A_256, %dma_start3A_260] : memref<50x4096x128xf32, #tpu.memory_space<hbm>> -> memref<1x128x128xf32, #tpu.memory_space<hbm>>
        %dma_start3A_262 = tpu.memref_squeeze %dma_start3A_261 : memref<1x128x128xf32, #tpu.memory_space<hbm>> -> memref<128x128xf32, #tpu.memory_space<hbm>>
        tpu.enqueue_dma source(%arg10 : memref<128x128xf32, #tpu.memory_space<vmem>>) target(%dma_start3A_262 : memref<128x128xf32, #tpu.memory_space<hbm>>) target_semaphore(%arg24 : memref<!tpu.dma_semaphore, #tpu.memory_space<semaphore_mem>>)
      } else {
      }
      %add3A_160 = arith.constant 7 : i32
      %add3A_161 = arith.addi %mul3A_118, %add3A_160 : i32
      %add3A_162 = arith.constant 1 : i32
      %add3A_163 = arith.addi %add3A_161, %add3A_162 : i32
      %lt3A_164 = arith.constant 50 : i32
      %lt3A_165 = arith.cmpi slt, %add3A_163, %lt3A_164 : i32
      %convert_element_type3A_166 = arith.extui %lt3A_165 : i1 to i32
      %cond3A_167 = arith.constant 0 : i32
      %cond3A_168 = arith.cmpi ne, %convert_element_type3A_166, %cond3A_167 : i32
      scf.if %cond3A_168 {
        %dma_wait3A_228 = arith.constant 0 : i32
        %dma_wait3A_229 = arith.constant 0 : i32
        %dma_wait3A_230 = arith.constant 0 : i32
        %dma_wait3A_231 = tpu.memref_slice %arg4[%dma_wait3A_228, %dma_wait3A_229, %dma_wait3A_230] : memref<50x4096x128xf32, #tpu.memory_space<hbm>> -> memref<1x128x128xf32, #tpu.memory_space<hbm>>
        %dma_wait3A_232 = tpu.memref_squeeze %dma_wait3A_231 : memref<1x128x128xf32, #tpu.memory_space<hbm>> -> memref<128x128xf32, #tpu.memory_space<hbm>>
        %dma_wait3A_233 = arith.constant 0 : i32
        %dma_wait3A_234 = arith.constant 0 : i32
        %dma_wait3A_235 = tpu.memref_slice %arg4[%dma_wait3A_228, %dma_wait3A_233, %dma_wait3A_234] : memref<50x4096x128xf32, #tpu.memory_space<hbm>> -> memref<1x128x128xf32, #tpu.memory_space<hbm>>
        %dma_wait3A_236 = tpu.memref_squeeze %dma_wait3A_235 : memref<1x128x128xf32, #tpu.memory_space<hbm>> -> memref<128x128xf32, #tpu.memory_space<hbm>>
        tpu.wait_dma2 semaphore(%arg21 : memref<!tpu.dma_semaphore, #tpu.memory_space<semaphore_mem>>) src(%arg7 : memref<128x128xf32, #tpu.memory_space<vmem>>) dst(%dma_wait3A_236 : memref<128x128xf32, #tpu.memory_space<hbm>>)
        %mul3A_237 = arith.constant 128 : i32
        %mul3A_238 = arith.muli %add3A_163, %mul3A_237 : i32
        %multiple_of3A_239 = tpu.assume_multiple %mul3A_238, 8 : i32
        %dma_start3A_240 = tpu.memref_slice %arg5[%multiple_of3A_239] : memref<6400xi32, #tpu.memory_space<vmem>> -> memref<128xi32, #tpu.memory_space<vmem>>
        %dma_start3A_241 = arith.constant 0 : i32
        %dma_start3A_242 = arith.constant 0 : i32
        %dma_start3A_243 = tpu.memref_slice %arg3[%dma_start3A_241, %dma_start3A_242] : memref<100000x128xf32, #tpu.memory_space<hbm>> -> memref<100000x128xf32, #tpu.memory_space<hbm>>
        tpu.enqueue_indirect_dma source(%dma_start3A_243 : memref<100000x128xf32, #tpu.memory_space<hbm>>) target(%arg7 : memref<128x128xf32, #tpu.memory_space<vmem>>) offsets(%dma_start3A_240 : memref<128xi32, #tpu.memory_space<vmem>>) semaphore(%arg14 : memref<!tpu.dma_semaphore, #tpu.memory_space<semaphore_mem>>)
      } else {
      }
      %add3A_169 = arith.constant 5 : i32
      %add3A_170 = arith.addi %mul3A_118, %add3A_169 : i32
      %lt3A_171 = arith.constant 50 : i32
      %lt3A_172 = arith.cmpi slt, %add3A_170, %lt3A_171 : i32
      %convert_element_type3A_173 = arith.extui %lt3A_172 : i1 to i32
      %cond3A_174 = arith.constant 0 : i32
      %cond3A_175 = arith.cmpi ne, %convert_element_type3A_173, %cond3A_174 : i32
      scf.if %cond3A_175 {
        %multiple_of3A_228 = arith.constant 0 : i32
        %multiple_of3A_229 = tpu.assume_multiple %multiple_of3A_228, 8 : i32
        %dma_wait3A_230 = tpu.memref_slice %arg5[%multiple_of3A_229] : memref<6400xi32, #tpu.memory_space<vmem>> -> memref<128xi32, #tpu.memory_space<vmem>>
        %dma_wait3A_231 = arith.constant 0 : i32
        %dma_wait3A_232 = arith.constant 0 : i32
        %dma_wait3A_233 = tpu.memref_slice %arg3[%dma_wait3A_231, %dma_wait3A_232] : memref<100000x128xf32, #tpu.memory_space<hbm>> -> memref<100000x128xf32, #tpu.memory_space<hbm>>
        tpu.wait_indirect_dma semaphore(%arg18 : memref<!tpu.dma_semaphore, #tpu.memory_space<semaphore_mem>>) src(%dma_wait3A_233 : memref<100000x128xf32, #tpu.memory_space<hbm>>) dst(%arg11 : memref<128x128xf32, #tpu.memory_space<vmem>>)
        %jit3A = arith.constant 1 : i32
        %div3A = arith.divsi %add3A_170, %jit3A : i32
        %sign3A = arith.constant 0 : i32
        %sign3A_234 = arith.cmpi sgt, %add3A_170, %sign3A : i32
        %sign3A_235 = arith.extui %sign3A_234 : i1 to i32
        %sign3A_236 = arith.constant 0 : i32
        %sign3A_237 = arith.cmpi slt, %add3A_170, %sign3A_236 : i32
        %sign3A_238 = arith.extui %sign3A_237 : i1 to i32
        %sign3A_239 = arith.subi %sign3A_235, %sign3A_238 : i32
        %sign3A_240 = arith.constant 0 : i32
        %sign3A_241 = arith.cmpi sgt, %jit3A, %sign3A_240 : i32
        %sign3A_242 = arith.extui %sign3A_241 : i1 to i32
        %sign3A_243 = arith.constant 0 : i32
        %sign3A_244 = arith.cmpi slt, %jit3A, %sign3A_243 : i32
        %sign3A_245 = arith.extui %sign3A_244 : i1 to i32
        %sign3A_246 = arith.subi %sign3A_242, %sign3A_245 : i32
        %ne3A = arith.cmpi ne, %sign3A_239, %sign3A_246 : i32
        %rem3A = arith.remsi %add3A_170, %jit3A : i32
        %ne3A_247 = arith.constant 0 : i32
        %ne3A_248 = arith.cmpi ne, %rem3A, %ne3A_247 : i32
        %and3A = arith.andi %ne3A, %ne3A_248 : i1
        %sub3A = arith.constant 1 : i32
        %sub3A_249 = arith.subi %div3A, %sub3A : i32
        %select_n3A = arith.select %and3A, %sub3A_249, %div3A : i32
        %mul3A_250 = arith.constant 1 : i32
        %mul3A_251 = arith.muli %select_n3A, %mul3A_250 : i32
        %sub3A_252 = arith.subi %add3A_170, %mul3A_251 : i32
        %mul3A_253 = arith.constant 128 : i32
        %mul3A_254 = arith.muli %sub3A_252, %mul3A_253 : i32
        %multiple_of3A_255 = tpu.assume_multiple %mul3A_254, 8 : i32
        %add3A_256 = arith.addi %multiple_of3A, %multiple_of3A_255 : i32
        %dma_start3A_257 = arith.constant 0 : i32
        %dma_start3A_258 = tpu.memref_slice %arg4[%select_n3A, %add3A_256, %dma_start3A_257] : memref<50x4096x128xf32, #tpu.memory_space<hbm>> -> memref<1x128x128xf32, #tpu.memory_space<hbm>>
        %dma_start3A_259 = tpu.memref_squeeze %dma_start3A_258 : memref<1x128x128xf32, #tpu.memory_space<hbm>> -> memref<128x128xf32, #tpu.memory_space<hbm>>
        %dma_start3A_260 = arith.constant 0 : i32
        %dma_start3A_261 = tpu.memref_slice %arg4[%select_n3A, %add3A_256, %dma_start3A_260] : memref<50x4096x128xf32, #tpu.memory_space<hbm>> -> memref<1x128x128xf32, #tpu.memory_space<hbm>>
        %dma_start3A_262 = tpu.memref_squeeze %dma_start3A_261 : memref<1x128x128xf32, #tpu.memory_space<hbm>> -> memref<128x128xf32, #tpu.memory_space<hbm>>
        tpu.enqueue_dma source(%arg11 : memref<128x128xf32, #tpu.memory_space<vmem>>) target(%dma_start3A_262 : memref<128x128xf32, #tpu.memory_space<hbm>>) target_semaphore(%arg25 : memref<!tpu.dma_semaphore, #tpu.memory_space<semaphore_mem>>)
      } else {
      }
      %add3A_176 = arith.constant 7 : i32
      %add3A_177 = arith.addi %mul3A_118, %add3A_176 : i32
      %add3A_178 = arith.constant 2 : i32
      %add3A_179 = arith.addi %add3A_177, %add3A_178 : i32
      %lt3A_180 = arith.constant 50 : i32
      %lt3A_181 = arith.cmpi slt, %add3A_179, %lt3A_180 : i32
      %convert_element_type3A_182 = arith.extui %lt3A_181 : i1 to i32
      %cond3A_183 = arith.constant 0 : i32
      %cond3A_184 = arith.cmpi ne, %convert_element_type3A_182, %cond3A_183 : i32
      scf.if %cond3A_184 {
        %dma_wait3A_228 = arith.constant 0 : i32
        %dma_wait3A_229 = arith.constant 0 : i32
        %dma_wait3A_230 = arith.constant 0 : i32
        %dma_wait3A_231 = tpu.memref_slice %arg4[%dma_wait3A_228, %dma_wait3A_229, %dma_wait3A_230] : memref<50x4096x128xf32, #tpu.memory_space<hbm>> -> memref<1x128x128xf32, #tpu.memory_space<hbm>>
        %dma_wait3A_232 = tpu.memref_squeeze %dma_wait3A_231 : memref<1x128x128xf32, #tpu.memory_space<hbm>> -> memref<128x128xf32, #tpu.memory_space<hbm>>
        %dma_wait3A_233 = arith.constant 0 : i32
        %dma_wait3A_234 = arith.constant 0 : i32
        %dma_wait3A_235 = tpu.memref_slice %arg4[%dma_wait3A_228, %dma_wait3A_233, %dma_wait3A_234] : memref<50x4096x128xf32, #tpu.memory_space<hbm>> -> memref<1x128x128xf32, #tpu.memory_space<hbm>>
        %dma_wait3A_236 = tpu.memref_squeeze %dma_wait3A_235 : memref<1x128x128xf32, #tpu.memory_space<hbm>> -> memref<128x128xf32, #tpu.memory_space<hbm>>
        tpu.wait_dma2 semaphore(%arg22 : memref<!tpu.dma_semaphore, #tpu.memory_space<semaphore_mem>>) src(%arg8 : memref<128x128xf32, #tpu.memory_space<vmem>>) dst(%dma_wait3A_236 : memref<128x128xf32, #tpu.memory_space<hbm>>)
        %mul3A_237 = arith.constant 128 : i32
        %mul3A_238 = arith.muli %add3A_179, %mul3A_237 : i32
        %multiple_of3A_239 = tpu.assume_multiple %mul3A_238, 8 : i32
        %dma_start3A_240 = tpu.memref_slice %arg5[%multiple_of3A_239] : memref<6400xi32, #tpu.memory_space<vmem>> -> memref<128xi32, #tpu.memory_space<vmem>>
        %dma_start3A_241 = arith.constant 0 : i32
        %dma_start3A_242 = arith.constant 0 : i32
        %dma_start3A_243 = tpu.memref_slice %arg3[%dma_start3A_241, %dma_start3A_242] : memref<100000x128xf32, #tpu.memory_space<hbm>> -> memref<100000x128xf32, #tpu.memory_space<hbm>>
        tpu.enqueue_indirect_dma source(%dma_start3A_243 : memref<100000x128xf32, #tpu.memory_space<hbm>>) target(%arg8 : memref<128x128xf32, #tpu.memory_space<vmem>>) offsets(%dma_start3A_240 : memref<128xi32, #tpu.memory_space<vmem>>) semaphore(%arg15 : memref<!tpu.dma_semaphore, #tpu.memory_space<semaphore_mem>>)
      } else {
      }
      %add3A_185 = arith.constant 6 : i32
      %add3A_186 = arith.addi %mul3A_118, %add3A_185 : i32
      %lt3A_187 = arith.constant 50 : i32
      %lt3A_188 = arith.cmpi slt, %add3A_186, %lt3A_187 : i32
      %convert_element_type3A_189 = arith.extui %lt3A_188 : i1 to i32
      %cond3A_190 = arith.constant 0 : i32
      %cond3A_191 = arith.cmpi ne, %convert_element_type3A_189, %cond3A_190 : i32
      scf.if %cond3A_191 {
        %multiple_of3A_228 = arith.constant 0 : i32
        %multiple_of3A_229 = tpu.assume_multiple %multiple_of3A_228, 8 : i32
        %dma_wait3A_230 = tpu.memref_slice %arg5[%multiple_of3A_229] : memref<6400xi32, #tpu.memory_space<vmem>> -> memref<128xi32, #tpu.memory_space<vmem>>
        %dma_wait3A_231 = arith.constant 0 : i32
        %dma_wait3A_232 = arith.constant 0 : i32
        %dma_wait3A_233 = tpu.memref_slice %arg3[%dma_wait3A_231, %dma_wait3A_232] : memref<100000x128xf32, #tpu.memory_space<hbm>> -> memref<100000x128xf32, #tpu.memory_space<hbm>>
        tpu.wait_indirect_dma semaphore(%arg19 : memref<!tpu.dma_semaphore, #tpu.memory_space<semaphore_mem>>) src(%dma_wait3A_233 : memref<100000x128xf32, #tpu.memory_space<hbm>>) dst(%arg12 : memref<128x128xf32, #tpu.memory_space<vmem>>)
        %jit3A = arith.constant 1 : i32
        %div3A = arith.divsi %add3A_186, %jit3A : i32
        %sign3A = arith.constant 0 : i32
        %sign3A_234 = arith.cmpi sgt, %add3A_186, %sign3A : i32
        %sign3A_235 = arith.extui %sign3A_234 : i1 to i32
        %sign3A_236 = arith.constant 0 : i32
        %sign3A_237 = arith.cmpi slt, %add3A_186, %sign3A_236 : i32
        %sign3A_238 = arith.extui %sign3A_237 : i1 to i32
        %sign3A_239 = arith.subi %sign3A_235, %sign3A_238 : i32
        %sign3A_240 = arith.constant 0 : i32
        %sign3A_241 = arith.cmpi sgt, %jit3A, %sign3A_240 : i32
        %sign3A_242 = arith.extui %sign3A_241 : i1 to i32
        %sign3A_243 = arith.constant 0 : i32
        %sign3A_244 = arith.cmpi slt, %jit3A, %sign3A_243 : i32
        %sign3A_245 = arith.extui %sign3A_244 : i1 to i32
        %sign3A_246 = arith.subi %sign3A_242, %sign3A_245 : i32
        %ne3A = arith.cmpi ne, %sign3A_239, %sign3A_246 : i32
        %rem3A = arith.remsi %add3A_186, %jit3A : i32
        %ne3A_247 = arith.constant 0 : i32
        %ne3A_248 = arith.cmpi ne, %rem3A, %ne3A_247 : i32
        %and3A = arith.andi %ne3A, %ne3A_248 : i1
        %sub3A = arith.constant 1 : i32
        %sub3A_249 = arith.subi %div3A, %sub3A : i32
        %select_n3A = arith.select %and3A, %sub3A_249, %div3A : i32
        %mul3A_250 = arith.constant 1 : i32
        %mul3A_251 = arith.muli %select_n3A, %mul3A_250 : i32
        %sub3A_252 = arith.subi %add3A_186, %mul3A_251 : i32
        %mul3A_253 = arith.constant 128 : i32
        %mul3A_254 = arith.muli %sub3A_252, %mul3A_253 : i32
        %multiple_of3A_255 = tpu.assume_multiple %mul3A_254, 8 : i32
        %add3A_256 = arith.addi %multiple_of3A, %multiple_of3A_255 : i32
        %dma_start3A_257 = arith.constant 0 : i32
        %dma_start3A_258 = tpu.memref_slice %arg4[%select_n3A, %add3A_256, %dma_start3A_257] : memref<50x4096x128xf32, #tpu.memory_space<hbm>> -> memref<1x128x128xf32, #tpu.memory_space<hbm>>
        %dma_start3A_259 = tpu.memref_squeeze %dma_start3A_258 : memref<1x128x128xf32, #tpu.memory_space<hbm>> -> memref<128x128xf32, #tpu.memory_space<hbm>>
        %dma_start3A_260 = arith.constant 0 : i32
        %dma_start3A_261 = tpu.memref_slice %arg4[%select_n3A, %add3A_256, %dma_start3A_260] : memref<50x4096x128xf32, #tpu.memory_space<hbm>> -> memref<1x128x128xf32, #tpu.memory_space<hbm>>
        %dma_start3A_262 = tpu.memref_squeeze %dma_start3A_261 : memref<1x128x128xf32, #tpu.memory_space<hbm>> -> memref<128x128xf32, #tpu.memory_space<hbm>>
        tpu.enqueue_dma source(%arg12 : memref<128x128xf32, #tpu.memory_space<vmem>>) target(%dma_start3A_262 : memref<128x128xf32, #tpu.memory_space<hbm>>) target_semaphore(%arg26 : memref<!tpu.dma_semaphore, #tpu.memory_space<semaphore_mem>>)
      } else {
      }
      %add3A_192 = arith.constant 7 : i32
      %add3A_193 = arith.addi %mul3A_118, %add3A_192 : i32
      %add3A_194 = arith.constant 3 : i32
      %add3A_195 = arith.addi %add3A_193, %add3A_194 : i32
      %lt3A_196 = arith.constant 50 : i32
      %lt3A_197 = arith.cmpi slt, %add3A_195, %lt3A_196 : i32
      %convert_element_type3A_198 = arith.extui %lt3A_197 : i1 to i32
      %cond3A_199 = arith.constant 0 : i32
      %cond3A_200 = arith.cmpi ne, %convert_element_type3A_198, %cond3A_199 : i32
      scf.if %cond3A_200 {
        %dma_wait3A_228 = arith.constant 0 : i32
        %dma_wait3A_229 = arith.constant 0 : i32
        %dma_wait3A_230 = arith.constant 0 : i32
        %dma_wait3A_231 = tpu.memref_slice %arg4[%dma_wait3A_228, %dma_wait3A_229, %dma_wait3A_230] : memref<50x4096x128xf32, #tpu.memory_space<hbm>> -> memref<1x128x128xf32, #tpu.memory_space<hbm>>
        %dma_wait3A_232 = tpu.memref_squeeze %dma_wait3A_231 : memref<1x128x128xf32, #tpu.memory_space<hbm>> -> memref<128x128xf32, #tpu.memory_space<hbm>>
        %dma_wait3A_233 = arith.constant 0 : i32
        %dma_wait3A_234 = arith.constant 0 : i32
        %dma_wait3A_235 = tpu.memref_slice %arg4[%dma_wait3A_228, %dma_wait3A_233, %dma_wait3A_234] : memref<50x4096x128xf32, #tpu.memory_space<hbm>> -> memref<1x128x128xf32, #tpu.memory_space<hbm>>
        %dma_wait3A_236 = tpu.memref_squeeze %dma_wait3A_235 : memref<1x128x128xf32, #tpu.memory_space<hbm>> -> memref<128x128xf32, #tpu.memory_space<hbm>>
        tpu.wait_dma2 semaphore(%arg23 : memref<!tpu.dma_semaphore, #tpu.memory_space<semaphore_mem>>) src(%arg9 : memref<128x128xf32, #tpu.memory_space<vmem>>) dst(%dma_wait3A_236 : memref<128x128xf32, #tpu.memory_space<hbm>>)
        %mul3A_237 = arith.constant 128 : i32
        %mul3A_238 = arith.muli %add3A_195, %mul3A_237 : i32
        %multiple_of3A_239 = tpu.assume_multiple %mul3A_238, 8 : i32
        %dma_start3A_240 = tpu.memref_slice %arg5[%multiple_of3A_239] : memref<6400xi32, #tpu.memory_space<vmem>> -> memref<128xi32, #tpu.memory_space<vmem>>
        %dma_start3A_241 = arith.constant 0 : i32
        %dma_start3A_242 = arith.constant 0 : i32
        %dma_start3A_243 = tpu.memref_slice %arg3[%dma_start3A_241, %dma_start3A_242] : memref<100000x128xf32, #tpu.memory_space<hbm>> -> memref<100000x128xf32, #tpu.memory_space<hbm>>
        tpu.enqueue_indirect_dma source(%dma_start3A_243 : memref<100000x128xf32, #tpu.memory_space<hbm>>) target(%arg9 : memref<128x128xf32, #tpu.memory_space<vmem>>) offsets(%dma_start3A_240 : memref<128xi32, #tpu.memory_space<vmem>>) semaphore(%arg16 : memref<!tpu.dma_semaphore, #tpu.memory_space<semaphore_mem>>)
      } else {
      }
      %add3A_201 = arith.constant 7 : i32
      %add3A_202 = arith.addi %mul3A_118, %add3A_201 : i32
      %add3A_203 = arith.constant 4 : i32
      %add3A_204 = arith.addi %add3A_202, %add3A_203 : i32
      %lt3A_205 = arith.constant 50 : i32
      %lt3A_206 = arith.cmpi slt, %add3A_204, %lt3A_205 : i32
      %convert_element_type3A_207 = arith.extui %lt3A_206 : i1 to i32
      %cond3A_208 = arith.constant 0 : i32
      %cond3A_209 = arith.cmpi ne, %convert_element_type3A_207, %cond3A_208 : i32
      scf.if %cond3A_209 {
        %dma_wait3A_228 = arith.constant 0 : i32
        %dma_wait3A_229 = arith.constant 0 : i32
        %dma_wait3A_230 = arith.constant 0 : i32
        %dma_wait3A_231 = tpu.memref_slice %arg4[%dma_wait3A_228, %dma_wait3A_229, %dma_wait3A_230] : memref<50x4096x128xf32, #tpu.memory_space<hbm>> -> memref<1x128x128xf32, #tpu.memory_space<hbm>>
        %dma_wait3A_232 = tpu.memref_squeeze %dma_wait3A_231 : memref<1x128x128xf32, #tpu.memory_space<hbm>> -> memref<128x128xf32, #tpu.memory_space<hbm>>
        %dma_wait3A_233 = arith.constant 0 : i32
        %dma_wait3A_234 = arith.constant 0 : i32
        %dma_wait3A_235 = tpu.memref_slice %arg4[%dma_wait3A_228, %dma_wait3A_233, %dma_wait3A_234] : memref<50x4096x128xf32, #tpu.memory_space<hbm>> -> memref<1x128x128xf32, #tpu.memory_space<hbm>>
        %dma_wait3A_236 = tpu.memref_squeeze %dma_wait3A_235 : memref<1x128x128xf32, #tpu.memory_space<hbm>> -> memref<128x128xf32, #tpu.memory_space<hbm>>
        tpu.wait_dma2 semaphore(%arg24 : memref<!tpu.dma_semaphore, #tpu.memory_space<semaphore_mem>>) src(%arg10 : memref<128x128xf32, #tpu.memory_space<vmem>>) dst(%dma_wait3A_236 : memref<128x128xf32, #tpu.memory_space<hbm>>)
        %mul3A_237 = arith.constant 128 : i32
        %mul3A_238 = arith.muli %add3A_204, %mul3A_237 : i32
        %multiple_of3A_239 = tpu.assume_multiple %mul3A_238, 8 : i32
        %dma_start3A_240 = tpu.memref_slice %arg5[%multiple_of3A_239] : memref<6400xi32, #tpu.memory_space<vmem>> -> memref<128xi32, #tpu.memory_space<vmem>>
        %dma_start3A_241 = arith.constant 0 : i32
        %dma_start3A_242 = arith.constant 0 : i32
        %dma_start3A_243 = tpu.memref_slice %arg3[%dma_start3A_241, %dma_start3A_242] : memref<100000x128xf32, #tpu.memory_space<hbm>> -> memref<100000x128xf32, #tpu.memory_space<hbm>>
        tpu.enqueue_indirect_dma source(%dma_start3A_243 : memref<100000x128xf32, #tpu.memory_space<hbm>>) target(%arg10 : memref<128x128xf32, #tpu.memory_space<vmem>>) offsets(%dma_start3A_240 : memref<128xi32, #tpu.memory_space<vmem>>) semaphore(%arg17 : memref<!tpu.dma_semaphore, #tpu.memory_space<semaphore_mem>>)
      } else {
      }
      %add3A_210 = arith.constant 7 : i32
      %add3A_211 = arith.addi %mul3A_118, %add3A_210 : i32
      %add3A_212 = arith.constant 5 : i32
      %add3A_213 = arith.addi %add3A_211, %add3A_212 : i32
      %lt3A_214 = arith.constant 50 : i32
      %lt3A_215 = arith.cmpi slt, %add3A_213, %lt3A_214 : i32
      %convert_element_type3A_216 = arith.extui %lt3A_215 : i1 to i32
      %cond3A_217 = arith.constant 0 : i32
      %cond3A_218 = arith.cmpi ne, %convert_element_type3A_216, %cond3A_217 : i32
      scf.if %cond3A_218 {
        %dma_wait3A_228 = arith.constant 0 : i32
        %dma_wait3A_229 = arith.constant 0 : i32
        %dma_wait3A_230 = arith.constant 0 : i32
        %dma_wait3A_231 = tpu.memref_slice %arg4[%dma_wait3A_228, %dma_wait3A_229, %dma_wait3A_230] : memref<50x4096x128xf32, #tpu.memory_space<hbm>> -> memref<1x128x128xf32, #tpu.memory_space<hbm>>
        %dma_wait3A_232 = tpu.memref_squeeze %dma_wait3A_231 : memref<1x128x128xf32, #tpu.memory_space<hbm>> -> memref<128x128xf32, #tpu.memory_space<hbm>>
        %dma_wait3A_233 = arith.constant 0 : i32
        %dma_wait3A_234 = arith.constant 0 : i32
        %dma_wait3A_235 = tpu.memref_slice %arg4[%dma_wait3A_228, %dma_wait3A_233, %dma_wait3A_234] : memref<50x4096x128xf32, #tpu.memory_space<hbm>> -> memref<1x128x128xf32, #tpu.memory_space<hbm>>
        %dma_wait3A_236 = tpu.memref_squeeze %dma_wait3A_235 : memref<1x128x128xf32, #tpu.memory_space<hbm>> -> memref<128x128xf32, #tpu.memory_space<hbm>>
        tpu.wait_dma2 semaphore(%arg25 : memref<!tpu.dma_semaphore, #tpu.memory_space<semaphore_mem>>) src(%arg11 : memref<128x128xf32, #tpu.memory_space<vmem>>) dst(%dma_wait3A_236 : memref<128x128xf32, #tpu.memory_space<hbm>>)
        %mul3A_237 = arith.constant 128 : i32
        %mul3A_238 = arith.muli %add3A_213, %mul3A_237 : i32
        %multiple_of3A_239 = tpu.assume_multiple %mul3A_238, 8 : i32
        %dma_start3A_240 = tpu.memref_slice %arg5[%multiple_of3A_239] : memref<6400xi32, #tpu.memory_space<vmem>> -> memref<128xi32, #tpu.memory_space<vmem>>
        %dma_start3A_241 = arith.constant 0 : i32
        %dma_start3A_242 = arith.constant 0 : i32
        %dma_start3A_243 = tpu.memref_slice %arg3[%dma_start3A_241, %dma_start3A_242] : memref<100000x128xf32, #tpu.memory_space<hbm>> -> memref<100000x128xf32, #tpu.memory_space<hbm>>
        tpu.enqueue_indirect_dma source(%dma_start3A_243 : memref<100000x128xf32, #tpu.memory_space<hbm>>) target(%arg11 : memref<128x128xf32, #tpu.memory_space<vmem>>) offsets(%dma_start3A_240 : memref<128xi32, #tpu.memory_space<vmem>>) semaphore(%arg18 : memref<!tpu.dma_semaphore, #tpu.memory_space<semaphore_mem>>)
      } else {
      }
      %add3A_219 = arith.constant 7 : i32
      %add3A_220 = arith.addi %mul3A_118, %add3A_219 : i32
      %add3A_221 = arith.constant 6 : i32
      %add3A_222 = arith.addi %add3A_220, %add3A_221 : i32
      %lt3A_223 = arith.constant 50 : i32
      %lt3A_224 = arith.cmpi slt, %add3A_222, %lt3A_223 : i32
      %convert_element_type3A_225 = arith.extui %lt3A_224 : i1 to i32
      %cond3A_226 = arith.constant 0 : i32
      %cond3A_227 = arith.cmpi ne, %convert_element_type3A_225, %cond3A_226 : i32
      scf.if %cond3A_227 {
        %dma_wait3A_228 = arith.constant 0 : i32
        %dma_wait3A_229 = arith.constant 0 : i32
        %dma_wait3A_230 = arith.constant 0 : i32
        %dma_wait3A_231 = tpu.memref_slice %arg4[%dma_wait3A_228, %dma_wait3A_229, %dma_wait3A_230] : memref<50x4096x128xf32, #tpu.memory_space<hbm>> -> memref<1x128x128xf32, #tpu.memory_space<hbm>>
        %dma_wait3A_232 = tpu.memref_squeeze %dma_wait3A_231 : memref<1x128x128xf32, #tpu.memory_space<hbm>> -> memref<128x128xf32, #tpu.memory_space<hbm>>
        %dma_wait3A_233 = arith.constant 0 : i32
        %dma_wait3A_234 = arith.constant 0 : i32
        %dma_wait3A_235 = tpu.memref_slice %arg4[%dma_wait3A_228, %dma_wait3A_233, %dma_wait3A_234] : memref<50x4096x128xf32, #tpu.memory_space<hbm>> -> memref<1x128x128xf32, #tpu.memory_space<hbm>>
        %dma_wait3A_236 = tpu.memref_squeeze %dma_wait3A_235 : memref<1x128x128xf32, #tpu.memory_space<hbm>> -> memref<128x128xf32, #tpu.memory_space<hbm>>
        tpu.wait_dma2 semaphore(%arg26 : memref<!tpu.dma_semaphore, #tpu.memory_space<semaphore_mem>>) src(%arg12 : memref<128x128xf32, #tpu.memory_space<vmem>>) dst(%dma_wait3A_236 : memref<128x128xf32, #tpu.memory_space<hbm>>)
        %mul3A_237 = arith.constant 128 : i32
        %mul3A_238 = arith.muli %add3A_222, %mul3A_237 : i32
        %multiple_of3A_239 = tpu.assume_multiple %mul3A_238, 8 : i32
        %dma_start3A_240 = tpu.memref_slice %arg5[%multiple_of3A_239] : memref<6400xi32, #tpu.memory_space<vmem>> -> memref<128xi32, #tpu.memory_space<vmem>>
        %dma_start3A_241 = arith.constant 0 : i32
        %dma_start3A_242 = arith.constant 0 : i32
        %dma_start3A_243 = tpu.memref_slice %arg3[%dma_start3A_241, %dma_start3A_242] : memref<100000x128xf32, #tpu.memory_space<hbm>> -> memref<100000x128xf32, #tpu.memory_space<hbm>>
        tpu.enqueue_indirect_dma source(%dma_start3A_243 : memref<100000x128xf32, #tpu.memory_space<hbm>>) target(%arg12 : memref<128x128xf32, #tpu.memory_space<vmem>>) offsets(%dma_start3A_240 : memref<128xi32, #tpu.memory_space<vmem>>) semaphore(%arg19 : memref<!tpu.dma_semaphore, #tpu.memory_space<semaphore_mem>>)
      } else {
      }
    }
    %scan3A_53 = arith.constant 8 : i32
    %dma_wait3A = arith.constant 0 : i32
    %dma_wait3A_54 = arith.constant 0 : i32
    %dma_wait3A_55 = arith.constant 0 : i32
    %dma_wait3A_56 = tpu.memref_slice %arg4[%dma_wait3A, %dma_wait3A_54, %dma_wait3A_55] : memref<50x4096x128xf32, #tpu.memory_space<hbm>> -> memref<1x128x128xf32, #tpu.memory_space<hbm>>
    %dma_wait3A_57 = tpu.memref_squeeze %dma_wait3A_56 : memref<1x128x128xf32, #tpu.memory_space<hbm>> -> memref<128x128xf32, #tpu.memory_space<hbm>>
    %dma_wait3A_58 = arith.constant 0 : i32
    %dma_wait3A_59 = arith.constant 0 : i32
    %dma_wait3A_60 = tpu.memref_slice %arg4[%dma_wait3A, %dma_wait3A_58, %dma_wait3A_59] : memref<50x4096x128xf32, #tpu.memory_space<hbm>> -> memref<1x128x128xf32, #tpu.memory_space<hbm>>
    %dma_wait3A_61 = tpu.memref_squeeze %dma_wait3A_60 : memref<1x128x128xf32, #tpu.memory_space<hbm>> -> memref<128x128xf32, #tpu.memory_space<hbm>>
    tpu.wait_dma2 semaphore(%arg20 : memref<!tpu.dma_semaphore, #tpu.memory_space<semaphore_mem>>) src(%arg6 : memref<128x128xf32, #tpu.memory_space<vmem>>) dst(%dma_wait3A_61 : memref<128x128xf32, #tpu.memory_space<hbm>>)
    %dma_wait3A_62 = arith.constant 0 : i32
    %dma_wait3A_63 = arith.constant 0 : i32
    %dma_wait3A_64 = arith.constant 0 : i32
    %dma_wait3A_65 = tpu.memref_slice %arg4[%dma_wait3A_62, %dma_wait3A_63, %dma_wait3A_64] : memref<50x4096x128xf32, #tpu.memory_space<hbm>> -> memref<1x128x128xf32, #tpu.memory_space<hbm>>
    %dma_wait3A_66 = tpu.memref_squeeze %dma_wait3A_65 : memref<1x128x128xf32, #tpu.memory_space<hbm>> -> memref<128x128xf32, #tpu.memory_space<hbm>>
    %dma_wait3A_67 = arith.constant 0 : i32
    %dma_wait3A_68 = arith.constant 0 : i32
    %dma_wait3A_69 = tpu.memref_slice %arg4[%dma_wait3A_62, %dma_wait3A_67, %dma_wait3A_68] : memref<50x4096x128xf32, #tpu.memory_space<hbm>> -> memref<1x128x128xf32, #tpu.memory_space<hbm>>
    %dma_wait3A_70 = tpu.memref_squeeze %dma_wait3A_69 : memref<1x128x128xf32, #tpu.memory_space<hbm>> -> memref<128x128xf32, #tpu.memory_space<hbm>>
    tpu.wait_dma2 semaphore(%arg21 : memref<!tpu.dma_semaphore, #tpu.memory_space<semaphore_mem>>) src(%arg7 : memref<128x128xf32, #tpu.memory_space<vmem>>) dst(%dma_wait3A_70 : memref<128x128xf32, #tpu.memory_space<hbm>>)
    %dma_wait3A_71 = arith.constant 0 : i32
    %dma_wait3A_72 = arith.constant 0 : i32
    %dma_wait3A_73 = arith.constant 0 : i32
    %dma_wait3A_74 = tpu.memref_slice %arg4[%dma_wait3A_71, %dma_wait3A_72, %dma_wait3A_73] : memref<50x4096x128xf32, #tpu.memory_space<hbm>> -> memref<1x128x128xf32, #tpu.memory_space<hbm>>
    %dma_wait3A_75 = tpu.memref_squeeze %dma_wait3A_74 : memref<1x128x128xf32, #tpu.memory_space<hbm>> -> memref<128x128xf32, #tpu.memory_space<hbm>>
    %dma_wait3A_76 = arith.constant 0 : i32
    %dma_wait3A_77 = arith.constant 0 : i32
    %dma_wait3A_78 = tpu.memref_slice %arg4[%dma_wait3A_71, %dma_wait3A_76, %dma_wait3A_77] : memref<50x4096x128xf32, #tpu.memory_space<hbm>> -> memref<1x128x128xf32, #tpu.memory_space<hbm>>
    %dma_wait3A_79 = tpu.memref_squeeze %dma_wait3A_78 : memref<1x128x128xf32, #tpu.memory_space<hbm>> -> memref<128x128xf32, #tpu.memory_space<hbm>>
    tpu.wait_dma2 semaphore(%arg22 : memref<!tpu.dma_semaphore, #tpu.memory_space<semaphore_mem>>) src(%arg8 : memref<128x128xf32, #tpu.memory_space<vmem>>) dst(%dma_wait3A_79 : memref<128x128xf32, #tpu.memory_space<hbm>>)
    %dma_wait3A_80 = arith.constant 0 : i32
    %dma_wait3A_81 = arith.constant 0 : i32
    %dma_wait3A_82 = arith.constant 0 : i32
    %dma_wait3A_83 = tpu.memref_slice %arg4[%dma_wait3A_80, %dma_wait3A_81, %dma_wait3A_82] : memref<50x4096x128xf32, #tpu.memory_space<hbm>> -> memref<1x128x128xf32, #tpu.memory_space<hbm>>
    %dma_wait3A_84 = tpu.memref_squeeze %dma_wait3A_83 : memref<1x128x128xf32, #tpu.memory_space<hbm>> -> memref<128x128xf32, #tpu.memory_space<hbm>>
    %dma_wait3A_85 = arith.constant 0 : i32
    %dma_wait3A_86 = arith.constant 0 : i32
    %dma_wait3A_87 = tpu.memref_slice %arg4[%dma_wait3A_80, %dma_wait3A_85, %dma_wait3A_86] : memref<50x4096x128xf32, #tpu.memory_space<hbm>> -> memref<1x128x128xf32, #tpu.memory_space<hbm>>
    %dma_wait3A_88 = tpu.memref_squeeze %dma_wait3A_87 : memref<1x128x128xf32, #tpu.memory_space<hbm>> -> memref<128x128xf32, #tpu.memory_space<hbm>>
    tpu.wait_dma2 semaphore(%arg23 : memref<!tpu.dma_semaphore, #tpu.memory_space<semaphore_mem>>) src(%arg9 : memref<128x128xf32, #tpu.memory_space<vmem>>) dst(%dma_wait3A_88 : memref<128x128xf32, #tpu.memory_space<hbm>>)
    %dma_wait3A_89 = arith.constant 0 : i32
    %dma_wait3A_90 = arith.constant 0 : i32
    %dma_wait3A_91 = arith.constant 0 : i32
    %dma_wait3A_92 = tpu.memref_slice %arg4[%dma_wait3A_89, %dma_wait3A_90, %dma_wait3A_91] : memref<50x4096x128xf32, #tpu.memory_space<hbm>> -> memref<1x128x128xf32, #tpu.memory_space<hbm>>
    %dma_wait3A_93 = tpu.memref_squeeze %dma_wait3A_92 : memref<1x128x128xf32, #tpu.memory_space<hbm>> -> memref<128x128xf32, #tpu.memory_space<hbm>>
    %dma_wait3A_94 = arith.constant 0 : i32
    %dma_wait3A_95 = arith.constant 0 : i32
    %dma_wait3A_96 = tpu.memref_slice %arg4[%dma_wait3A_89, %dma_wait3A_94, %dma_wait3A_95] : memref<50x4096x128xf32, #tpu.memory_space<hbm>> -> memref<1x128x128xf32, #tpu.memory_space<hbm>>
    %dma_wait3A_97 = tpu.memref_squeeze %dma_wait3A_96 : memref<1x128x128xf32, #tpu.memory_space<hbm>> -> memref<128x128xf32, #tpu.memory_space<hbm>>
    tpu.wait_dma2 semaphore(%arg24 : memref<!tpu.dma_semaphore, #tpu.memory_space<semaphore_mem>>) src(%arg10 : memref<128x128xf32, #tpu.memory_space<vmem>>) dst(%dma_wait3A_97 : memref<128x128xf32, #tpu.memory_space<hbm>>)
    %dma_wait3A_98 = arith.constant 0 : i32
    %dma_wait3A_99 = arith.constant 0 : i32
    %dma_wait3A_100 = arith.constant 0 : i32
    %dma_wait3A_101 = tpu.memref_slice %arg4[%dma_wait3A_98, %dma_wait3A_99, %dma_wait3A_100] : memref<50x4096x128xf32, #tpu.memory_space<hbm>> -> memref<1x128x128xf32, #tpu.memory_space<hbm>>
    %dma_wait3A_102 = tpu.memref_squeeze %dma_wait3A_101 : memref<1x128x128xf32, #tpu.memory_space<hbm>> -> memref<128x128xf32, #tpu.memory_space<hbm>>
    %dma_wait3A_103 = arith.constant 0 : i32
    %dma_wait3A_104 = arith.constant 0 : i32
    %dma_wait3A_105 = tpu.memref_slice %arg4[%dma_wait3A_98, %dma_wait3A_103, %dma_wait3A_104] : memref<50x4096x128xf32, #tpu.memory_space<hbm>> -> memref<1x128x128xf32, #tpu.memory_space<hbm>>
    %dma_wait3A_106 = tpu.memref_squeeze %dma_wait3A_105 : memref<1x128x128xf32, #tpu.memory_space<hbm>> -> memref<128x128xf32, #tpu.memory_space<hbm>>
    tpu.wait_dma2 semaphore(%arg25 : memref<!tpu.dma_semaphore, #tpu.memory_space<semaphore_mem>>) src(%arg11 : memref<128x128xf32, #tpu.memory_space<vmem>>) dst(%dma_wait3A_106 : memref<128x128xf32, #tpu.memory_space<hbm>>)
    %dma_wait3A_107 = arith.constant 0 : i32
    %dma_wait3A_108 = arith.constant 0 : i32
    %dma_wait3A_109 = arith.constant 0 : i32
    %dma_wait3A_110 = tpu.memref_slice %arg4[%dma_wait3A_107, %dma_wait3A_108, %dma_wait3A_109] : memref<50x4096x128xf32, #tpu.memory_space<hbm>> -> memref<1x128x128xf32, #tpu.memory_space<hbm>>
    %dma_wait3A_111 = tpu.memref_squeeze %dma_wait3A_110 : memref<1x128x128xf32, #tpu.memory_space<hbm>> -> memref<128x128xf32, #tpu.memory_space<hbm>>
    %dma_wait3A_112 = arith.constant 0 : i32
    %dma_wait3A_113 = arith.constant 0 : i32
    %dma_wait3A_114 = tpu.memref_slice %arg4[%dma_wait3A_107, %dma_wait3A_112, %dma_wait3A_113] : memref<50x4096x128xf32, #tpu.memory_space<hbm>> -> memref<1x128x128xf32, #tpu.memory_space<hbm>>
    %dma_wait3A_115 = tpu.memref_squeeze %dma_wait3A_114 : memref<1x128x128xf32, #tpu.memory_space<hbm>> -> memref<128x128xf32, #tpu.memory_space<hbm>>
    tpu.wait_dma2 semaphore(%arg26 : memref<!tpu.dma_semaphore, #tpu.memory_space<semaphore_mem>>) src(%arg12 : memref<128x128xf32, #tpu.memory_space<vmem>>) dst(%dma_wait3A_115 : memref<128x128xf32, #tpu.memory_space<hbm>>)
    return
  }
}

</mosaic_0001>

<sc_bundles>
// kernel: kernel.3.cloned.1.call-start
scs
__scs_entry_jumppad:
0x0: {  	(pc) =	sbr.rel $0x88, $3  }
0x1: {  	(tag) =	ssettag $0x0;
	lr =	simm.s32 $0x1  }
0x2: {  	[smem:$0x3F9F] =	sst lr;
	_ =	strace $0xD0000000  }
0x3: {  	_ = 	snop  }
0x4: {  	_ = 	snop  }
0x5: {  	_ = 	snop  }
0x6: {  	_ = 	snop  }
0x7: {  	_ = 	snop  }
__scs_overlays_trampoline_lowered:
0x8: {  	[smem:$0x3FAE] =	sst s0  }
0x9: {  	[smem:$0x3FAF] =	sst s1  }
0xa: {  	[smem:$0x3FB0] =	sst s2  }
0xb: {  	[smem:$0x3FB1] =	sst s3  }
0xc: {  	[smem:$0x3FB2] =	sst s4  }
0xd: {  	[smem:$0x3FB3] =	sst s5  }
0xe: {  	[smem:$0x3FB4] =	sst s6  }
0xf: {  	[smem:$0x3FB5] =	sst s7  }
0x10: {  	[smem:$0x3FB6] =	sst s8  }
0x11: {  	[smem:$0x3FB7] =	sst s9;
	s0 =	simm.s32 @!p0 $0x0  }
0x12: {  	s1 =	sld [smem:$0x3F9D];
	s0 =	simm.s32 @p0 $0x1  }
0x13: {  	[smem:$0x3FB8] =	sst s0;
	s0 =	simm.s32 @!p1 $0x0  }
0x14: {  	s2 =	sld [smem:$0x3F9C];
	s0 =	simm.s32 @p1 $0x1  }
0x15: {  	[smem:$0x3FB9] =	sst s0;
	s0 =	simm.s32 @!p2 $0x0  }
0x16: {  	s3 =	sld [smem:$0x3FDB];
	s0 =	simm.s32 @p2 $0x1  }
0x17: {  	s4 =	simm.s32 $0x1BF5;
	[smem:$0x3FBB] =	sst s0  }
0x18: {  	s0 =	sld [smem:$0x3F9E];
	_ =	swait.ge [sflag:s4], $0x0  }
0x19: {  	s7 =	sld [smem:$0x3F9F]  }
0x1a: {  	s8 =	sadd.s32 $0xFFFFE003, lr  }
0x1b: {  	s9 =	sadd.s32 $0xFFFFFEF7, lr;
	s5 =	simm.s32 $0xFFFFFFFF;
	p2 =	slt.u32 s8, $0xFFFFF086  }
0x1c: {  	p1 =	slt.u32 s9, $0xF7A;
	s5 =	simm.s32 @!p2 $0x0  }
0x1d: {  	s5 =	simm.s32 @p1 $0x1;
	p0 =	seq.s32 s7, s2  }
0x1e: {  	s7 =	smul.u32 @!p0 $0xF7A, s2;
	p2 =	seq.s32 @!p0 s5, $0x0  }
0x1f: {  	s9 =	smul.u32 $0xF7A, s1;
	s8 =	simm.s32 @!p0 $0x1BF5;
	p2 =	por !p2, p0  }
0x20: {  	[sflag:s8] =	ssyncset.s32 @!p0 $0xFFFFF086;
	s6 =	sadd.s32 @!p0 s3, s7;
	s7 =	simm.s32 @!p0 $0x108  }
0x21: {  	s3 =	sadd.s32 s3, s9;
	s6 =	sadd.s32 @!p0 $0x88, s6;
	s7 =	simm.s32 @p2 $0x1082  }
0x22: {  	[simem:s7], [sflag:s8] =	dma.local @!p0 [hbm:s6], $0xF7A  }
0x23: {  	s9 =	sor.u32 $0xD0000000, s2;
	s6 =	simm.s32 $0x108;
	_ =	swait.ge @!p0 [sflag:s8], $0x0  }
0x24: {  	s3 =	sadd.s32 $0x88, s3;
	s6 =	simm.s32 @!p1 $0x1082;
	[sflag:s4] =	ssyncset.s32 $0xFFFFF086  }
0x25: {  	[simem:s6], [sflag:s4] =	dma.local [hbm:s3], $0xF7A  }
0x26: {  	[smem:$0x3F9F] =	sst s1;
	(tag) =	ssettag s2;
	_ =	strace s9  }
0x27: {  	s1 =	sld [smem:$0x3FAF]  }
0x28: {  	s2 =	sld [smem:$0x3FB0]  }
0x29: {  	s4 =	sld [smem:$0x3FB2]  }
0x2a: {  	p0 =	seq.s32 s5, $0x0;
	s5 =	sld [smem:$0x3FB3]  }
0x2b: {  	s6 =	sld [smem:$0x3FB4]  }
0x2c: {  	s7 =	sld [smem:$0x3FB5]  }
0x2d: {  	s3 =	simm.s32 $0x108;
	s8 =	sld [smem:$0x3FB6]  }
0x2e: {  	s3 =	simm.s32 @!p0 $0x1082;
	s9 =	sld [smem:$0x3FB7]  }
0x2f: {  	lr =	sadd.s32 s0, s3;
	s0 =	sld [smem:$0x3FAE]  }
0x30: {  	s3 =	sld [smem:$0x3FB1]  }
0x31: {  	[smem:$0x3FBA] =	sst s10  }
0x32: {  	s10 =	sld [smem:$0x3FB8];
	_ =	sdelay $0x3  }
0x33: {  	p0 =	seq.s32 s10, $0x1;
	s10 =	sld [smem:$0x3FBA];
	_ =	sdelay $0x3  }
0x34: {  	[smem:$0x3FBA] =	sst s10  }
0x35: {  	s10 =	sld [smem:$0x3FB9];
	_ =	sdelay $0x3  }
0x36: {  	p1 =	seq.s32 s10, $0x1;
	s10 =	sld [smem:$0x3FBA];
	_ =	sdelay $0x3  }
0x37: {  	[smem:$0x3FBA] =	sst s10  }
0x38: {  	s10 =	sld [smem:$0x3FBB]  }
0x39: {  	_ = 	snop;
	(pc) =	sbr.ind lr, $3  }
0x3a: {  	_ = 	snop  }
0x3b: {  	_ = 	snop  }
0x3c: {  	p2 =	seq.s32 s10, $0x1;
	s10 =	sld [smem:$0x3FBA]  }
0x3d: {  	_ =	shalt  }
0x3e: {  	_ =	shalt  }
0x3f: {  	_ =	shalt  }
0x40: {  	_ =	shalt  }
0x41: {  	_ =	shalt  }
0x42: {  	_ =	shalt  }
0x43: {  	_ =	shalt  }
0x44: {  	_ =	shalt  }
0x45: {  	_ =	shalt  }
0x46: {  	_ =	shalt  }
0x47: {  	_ =	shalt  }
0x48: {  	_ =	shalt  }
0x49: {  	_ =	shalt  }
0x4a: {  	_ =	shalt  }
0x4b: {  	_ =	shalt  }
0x4c: {  	_ =	shalt  }
0x4d: {  	_ =	shalt  }
0x4e: {  	_ =	shalt  }
0x4f: {  	_ =	shalt  }
0x50: {  	_ =	shalt  }
0x51: {  	_ =	shalt  }
0x52: {  	_ =	shalt  }
0x53: {  	_ =	shalt  }
0x54: {  	_ =	shalt  }
0x55: {  	_ =	shalt  }
0x56: {  	_ =	shalt  }
0x57: {  	_ =	shalt  }
0x58: {  	_ =	shalt  }
0x59: {  	_ =	shalt  }
0x5a: {  	_ =	shalt  }
0x5b: {  	_ =	shalt  }
0x5c: {  	_ =	shalt  }
0x5d: {  	_ =	shalt  }
0x5e: {  	_ =	shalt  }
0x5f: {  	_ =	shalt  }
0x60: {  	_ =	shalt  }
0x61: {  	_ =	shalt  }
0x62: {  	_ =	shalt  }
0x63: {  	_ =	shalt  }
0x64: {  	_ =	shalt  }
0x65: {  	_ =	shalt  }
0x66: {  	_ =	shalt  }
0x67: {  	_ =	shalt  }
0x68: {  	_ =	shalt  }
0x69: {  	_ =	shalt  }
0x6a: {  	_ =	shalt  }
0x6b: {  	_ =	shalt  }
0x6c: {  	_ =	shalt  }
0x6d: {  	_ =	shalt  }
0x6e: {  	_ =	shalt  }
0x6f: {  	_ =	shalt  }
0x70: {  	_ =	shalt  }
0x71: {  	_ =	shalt  }
0x72: {  	_ =	shalt  }
0x73: {  	_ =	shalt  }
0x74: {  	_ =	shalt  }
0x75: {  	_ =	shalt  }
0x76: {  	_ =	shalt  }
0x77: {  	_ =	shalt  }
0x78: {  	_ =	shalt  }
0x79: {  	_ =	shalt  }
0x7a: {  	_ =	shalt  }
0x7b: {  	_ =	shalt  }
0x7c: {  	_ =	shalt  }
0x7d: {  	_ =	shalt  }
0x7e: {  	_ =	shalt  }
0x7f: {  	_ =	shalt  }
0x80: {  	_ =	shalt  }
0x81: {  	_ =	shalt  }
0x82: {  	_ =	shalt  }
0x83: {  	_ =	shalt  }
0x84: {  	_ =	shalt  }
0x85: {  	_ =	shalt  }
0x86: {  	_ =	shalt  }
0x87: {  	_ =	shalt  }
.Lfunc_end0:
.L_simem_size_0:
called_computation_lowered:
.L_overlay_start_0:
0x88: {  	s2 =	sld [smem:$0x3FD9]  }
0x89: {  	s3 =	sld [smem:$0x3FFE];
	_ =	sdelay $0x1  }
0x8a: {  	s1 =	srdreg.scid  }
0x8b: {  	s0 =	sand.u32 $0x1, s1  }
0x8c: {  	s17 =	sshll.u32 s0, $0xA;
	s2 =	sadd.s32 s3, s2  }
0x8d: {  	s2 =	sadd.s32 s2, s17  }
0x8e: {  	[smem:$0x3FC6] =	sst s2  }
0x8f: {  	_ = 	snop  }
0x90: {  	s2 =	sld [smem:$0x3FC8]  }
0x91: {  	s18 =	sld [smem:$0x3FD0];
	(tm) =	ssettm $0x1  }
0x92: {  	s4 =	sld [smem:$0x3FFB];
	_ =	sdelay $0x3  }
0x93: {  	_ =	strace s4  }
0x94: {  	s4 =	sld [smem:$0x3FFC];
	_ =	sdelay $0x3  }
0x95: {  	_ =	strace s4  }
0x96: {  	s4 =	sld [smem:$0x3FFD];
	_ =	sdelay $0x3  }
0x97: {  	_ =	strace s4  }
0x98: {  	_ =	strace $0x8FFFFFFF  }
0x99: {  	s19 =	sld [smem:$0x3FDB];
	_ =	sdelay $0x1  }
0x9a: {  	s5 =	simm.s32 $_scs_section_size  }
0x9b: {  	s6 =	simm.s32 $_size__tile_overlayer_lowered;
	s7 =	simm.s32 $_tile_overlayer_lowered  }
0x9c: {  	s22 =	simm.s32 $0x1BFF;
	s21 =	sshll.u32 s7, $0x1;
	s4 =	sadd.s32 s5, s19  }
0x9d: {  	s8 =	simm.s32 $0x0;
	s20 =	sshll.u32 s6, $0x1;
	s6 =	sadd.s32 s21, s4  }
0x9e: {  	[timem:s8], [sflag:s22] =	dma.local [hbm:s6], s20  }
0x9f: {  	_ =	swait.ge [sflag:s22], s20  }
0xa0: {  	s5 =	ssub.s32 $0x0, s20;
	[sflag:s22] =	ssyncset.done $0x0  }
0xa1: {  	[sflag:s22] =	ssyncadd.s32 s5;
	_ =	sdelay $0x1  }
0xa2: {  	s23 =	simm.s32 $0x1B8B  }
0xa3: {  	_ =	swait.ge [sflag:s23], $0x1  }
0xa4: {  	[sflag:s23] =	ssyncset.done $0x0  }
0xa5: {  	s25 =	simm.s32 $0x1B8E;
	s24 =	sld [smem:$0x3FFE];
	[sflag:s23] =	ssyncadd.s32 $0xFFFFFFFF  }
0xa6: {  	s26 =	simm.s32 $execute0_lowered;
	[smem:$0x3FD2] =	sst s25  }
0xa7: {  	s6 =	sshll.u32 s26, $0x1;
	_ =	strace $0x80000046;
	[dreg:$0x1] =	wrdreg $0xFFFFFFFF  }
0xa8: {  	s28 =	simm.s32 $_size_execute0_lowered;
	s4 =	sadd.s32 s4, s6;
	[dreg:$0x0] =	wrdreg $0x0  }
0xa9: {  	s6 =	sshll.u32 s28, $0x1;
	[dreg:$0x2] =	wrdreg s4  }
0xaa: {  	[dreg:$0x3] =	wrdreg s6  }
0xab: {  	[dreg:$0x4] =	wrdreg $0xC0  }
0xac: {  	_ =	task [dreg:s8], $0x5FFFF  }
0xad: {  	[dreg:$0x1] =	wrdreg $0xFFFFFFFF  }
0xae: {  	[dreg:$0x0] =	wrdreg $0x60  }
0xaf: {  	[dreg:$0x2] =	wrdreg s24  }
0xb0: {  	[dreg:$0x3] =	wrdreg s2  }
0xb1: {  	[dreg:$0x4] =	wrdreg s18  }
0xb2: {  	[dreg:$0x5] =	wrdreg $0x9  }
0xb3: {  	_ =	task.clear_ibuf [dreg:s8], $0x6FFFF;
	_ =	strace $0x90000046  }
0xb4: {  	s29 =	simm.s32 $0x9;
	_ =	strace $0x80000048  }
0xb5: {  	_ =	swait.ge [sflag:s29], $0x1  }
0xb6: {  	[sflag:s29] =	ssyncadd.s32 $0xFFFFFFFF  }
0xb7: {  	_ =	strace $0x90000048  }
0xb8: {  	_ =	sfence  }
0xb9: {  	s30 =	sld [smem:$0x0];
	_ =	sdelay $0x2  }
0xba: {  	s31 =	sshll.u32 s1, $0xD;
	s1 =	sshrl.u32 s1, $0x2  }
0xbb: {  	s3 =	sand.u32 $0x4000, s31;
	s1 =	sadd.s32 s1, s30  }
0xbc: {  	s0 =	sor.u32 s3, s0;
	s1 =	sshll.u32 s1, $0x11  }
0xbd: {  	s0 =	sor.u32 s1, s0  }
0xbe: {  	s0 =	sadd.s32 $0x8F2B, s0  }
0xbf: {  	[sflag:s0] =	ssyncadd.remote.s32 $0x1  }
0xc0: {  	_ =	sfence.sel $0xFFFF  }
0xc1: {  	[dreg:$0x0] =	wrdreg $0xFFFFFFFF;
	(pc) =	sbr.abs _section_cstart, $3  }
0xc2: {  	[dreg:$0x1] =	wrdreg $0xFFFFFFFF  }
0xc3: {  	_ =	task.clear_ibuf [dreg:s8], $0x2FFFF;
	_ =	strace $0x9FFFFFFF  }
0xc4: {  	(tm) =	ssettm $0x7FFFFFFF  }
0xc5: {  	_ =	shalt  }
tec
execute0_lowered:
.L_overlay_start_1:
0x0: {  	(tag) =	ssettag $0x1  }
0x1: {  	s0 =	rddreg [dreg:$0x0];
	s1 =	srdreg.scid  }
0x2: {  	s6 =	stileid.u32;
	s2 =	rddreg [dreg:$0x1]  }
0x3: {  	s4 =	simm.s32 $0x0;
	s14 =	simm.s32 $0xF;
	s15 =	simm.s32 $0x80  }
0x4: {  	s16 =	simm.s32 $0x1900;
	s29 =	simm.s32 $0x1;
	s30 =	simm.s32 $0x8  }
0x5: {  	s31 =	simm.s32 $0x9;
	s17 =	simm.s32 $0xD;
	s18 =	simm.s32 $0xE  }
0x6: {  	s19 =	simm.s32 $0x0;
	s1 =	sand.u32 $0x1, s1;
	s3 =	sshll.u32 s6, $0x1  }
0x7: {  	[smem:$0x7FF] =	sst s4;
	s7 =	sshll.u32 s6, $0xF;
	s3 =	sor.u32 s1, s3  }
0x8: {  	s5 =	ssub.s32 $0x2, s1;
	_ =	strace $0x80000047;
	s1 =	sshll.u32 s1, $0xE  }
0x9: {  	s3 =	smul.u32 $0x320, s3;
	s23 =	sshrl.u32 s5, $0x1;
	s24 =	sor.u32 s1, s7  }
0xa: {  	s1 =	sor.u32 $0x280000, s24;
	s25 =	sor.u32 $0x300000, s24;
	s9 =	sor.u32 $0x200000, s24  }
0xb: {  	s26 =	sor.u32 $0x180000, s24;
	s28 =	sor.u32 $0x100000, s24;
	s12 =	sor.u32 $0x80000, s24  }
0xc: {  	s13 =	sshrl.u32 s24, $0x3;
	s0 =	sadd.s32 s3, s0;
	s3 =	ssub.s32 s5, s23  }
0xd: {  	s7 =	sshrl.u32 s1, $0x3;
	s8 =	sshrl.u32 s25, $0x3;
	s9 =	sshrl.u32 s9, $0x3  }
0xe: {  	s10 =	sshrl.u32 s26, $0x3;
	s11 =	sshrl.u32 s28, $0x3;
	s12 =	sshrl.u32 s12, $0x3  }
0xf: {  	s1 =	simm.s32 $0xA;
	s0 =	sadd.s32 $0x400, s0;
	s6 =	smax.u32 s3, $0x1  }
0x10: {  	s3 =	simm.s32 $0xC;
	[dreg:$0x4] =	wrdreg s0;
	s0 =	simm.s32 $0xB  }
.LBB2_1:
0x11: {  	s5 =	rddreg [dreg:$0x4]  }
0x12: {  	[tilespmem:s4], [sflag:$0xF] =	stream.linear.gather [hbm4b:s5+s4], $0x1900, $0x38;
	[tilespmem:$0x1D900] =	vst v63  }
0x13: {  	_ =	swait.ge [sflag:s14], $0x1900  }
0x14: {  	[sflag:s14] =	ssyncset.done $0x0  }
0x15: {  	[sflag:s14] =	ssyncadd.s32 $0xFFFFE700  }
0x16: {  	[tilespmem:s16], [sflag:$0x1] =	stream.indirect.gather [hbm4b:s2+s15], $0x80, s4, s15, $0xb8;
	[tilespmem:$0x1D900] =	vst v63  }
0x17: {  	s26 =	simm.s32 $0x5900  }
0x18: {  	[tilespmem:s26], [sflag:$0x2] =	stream.indirect.gather [hbm4b:s2+s15], $0x80, s15, s15, $0xb8;
	[tilespmem:$0x1D900] =	vst v63  }
0x19: {  	s28 =	simm.s32 $0x100;
	s20 =	simm.s32 $0x9900  }
0x1a: {  	[tilespmem:s20], [sflag:$0x3] =	stream.indirect.gather [hbm4b:s2+s15], $0x80, s28, s15, $0xb8;
	[tilespmem:$0x1D900] =	vst v63  }
0x1b: {  	s21 =	simm.s32 $0xD900;
	s20 =	simm.s32 $0x180  }
0x1c: {  	[tilespmem:s21], [sflag:$0x4] =	stream.indirect.gather [hbm4b:s2+s15], $0x80, s20, s15, $0xb8;
	[tilespmem:$0x1D900] =	vst v63  }
0x1d: {  	s22 =	simm.s32 $0x200;
	s23 =	simm.s32 $0x11900;
	s24 =	simm.s32 $0x280  }
0x1e: {  	[tilespmem:s23], [sflag:$0x5] =	stream.indirect.gather [hbm4b:s2+s15], $0x80, s22, s15, $0xb8;
	[tilespmem:$0x1D900] =	vst v63  }
0x1f: {  	s25 =	simm.s32 $0x15900;
	s26 =	simm.s32 $0x300;
	s28 =	simm.s32 $0x19900  }
0x20: {  	[tilespmem:s25], [sflag:$0x6] =	stream.indirect.gather [hbm4b:s2+s15], $0x80, s24, s15, $0xb8;
	[tilespmem:$0x1D900] =	vst v63  }
0x21: {  	s20 =	rddreg [dreg:$0x2];
	s21 =	simm.s32 $0x0;
	s22 =	simm.s32 $0x0  }
0x22: {  	[tilespmem:s28], [sflag:$0x7] =	stream.indirect.gather [hbm4b:s2+s15], $0x80, s26, s15, $0xb8;
	[tilespmem:$0x1D900] =	vst v63  }
.LBB2_2:
0x23: {  	_ =	swait.ge [sflag:s29], $0x4000  }
0x24: {  	[sflag:s29] =	ssyncset.done $0x0  }
0x25: {  	s23 =	sadd.s32 s20, s13;
	p0 =	seq.s32 s21, $0x6200;
	[sflag:s29] =	ssyncadd.s32 $0xFFFFC000  }
0x26: {  	[hbm4b:s23+s4] =	stream.linear.scatter [tilespmem:s16], [sflag:$0x8], $0x4000, $0x38;
	[tilespmem:$0x1D900] =	vst v63  }
0x27: {  	s23 =	simm.s32 @!p0 $0x2  }
0x28: {  	_ =	swait.ge @!p0 [sflag:s23], $0x4000  }
0x29: {  	s24 =	sadd.s32 @!p0 s20, s12;
	[sflag:s23] =	ssyncset.done @!p0 $0x0  }
0x2a: {  	s25 =	simm.s32 @!p0 $0x5900;
	[sflag:s23] =	ssyncadd.s32 @!p0 $0xFFFFC000;
	s23 =	simm.s32 @!p0 $0x0  }
0x2b: {  	[hbm4b:s24+s23] =	stream.linear.scatter @!p0 [tilespmem:s25], [sflag:$0x9], $0x4000, $0x38;
	[tilespmem:$0x1D900] =	vst v63  }
0x2c: {  	s24 =	simm.s32 @!p0 $0x3  }
0x2d: {  	_ =	swait.ge @!p0 [sflag:s24], $0x4000  }
0x2e: {  	[sflag:s24] =	ssyncset.done @!p0 $0x0  }
0x2f: {  	s25 =	simm.s32 @!p0 $0x9900;
	[sflag:s24] =	ssyncadd.s32 @!p0 $0xFFFFC000;
	s24 =	sadd.s32 @!p0 s20, s11  }
0x30: {  	[hbm4b:s24+s23] =	stream.linear.scatter @!p0 [tilespmem:s25], [sflag:$0xA], $0x4000, $0x38;
	[tilespmem:$0x1D900] =	vst v63  }
0x31: {  	s24 =	simm.s32 @!p0 $0x4  }
0x32: {  	_ =	swait.ge @!p0 [sflag:s24], $0x4000  }
0x33: {  	[sflag:s24] =	ssyncset.done @!p0 $0x0  }
0x34: {  	s25 =	simm.s32 @!p0 $0xD900;
	[sflag:s24] =	ssyncadd.s32 @!p0 $0xFFFFC000;
	s24 =	sadd.s32 @!p0 s20, s10  }
0x35: {  	[hbm4b:s24+s23] =	stream.linear.scatter @!p0 [tilespmem:s25], [sflag:$0xB], $0x4000, $0x38;
	[tilespmem:$0x1D900] =	vst v63  }
0x36: {  	s24 =	simm.s32 @!p0 $0x8  }
0x37: {  	_ =	swait.ge @!p0 [sflag:s24], $0x4000  }
0x38: {  	[sflag:s24] =	ssyncset.done @!p0 $0x0  }
0x39: {  	[sflag:s24] =	ssyncadd.s32 @!p0 $0xFFFFC000;
	s24 =	sshra.s32 @!p0 s21, $0x2  }
0x3a: {  	s26 =	simm.s32 @!p0 $0x1900;
	s25 =	simm.s32 @!p0 $0x80;
	s24 =	sadd.s32 @!p0 $0x380, s24  }
0x3b: {  	[tilespmem:s26], [sflag:$0x1] =	stream.indirect.gather @!p0 [hbm4b:s2+s25], $0x80, s24, s25, $0xb8;
	[tilespmem:$0x1D900] =	vst v63  }
0x3c: {  	s24 =	simm.s32 @!p0 $0x5  }
0x3d: {  	p1 =	sgt.u32 @!p0 s22, $0x5;
	_ =	swait.ge @!p0 [sflag:s24], $0x4000  }
0x3e: {  	p2 =	por !p1, p0;
	[sflag:s24] =	ssyncset.done @!p0 $0x0  }
0x3f: {  	s25 =	simm.s32 @!p0 $0x11900;
	[sflag:s24] =	ssyncadd.s32 @!p0 $0xFFFFC000;
	s24 =	sadd.s32 @!p0 s20, s9  }
0x40: {  	[hbm4b:s24+s23] =	stream.linear.scatter @!p0 [tilespmem:s25], [sflag:$0xC], $0x4000, $0x38;
	[tilespmem:$0x1D900] =	vst v63  }
0x41: {  	s24 =	simm.s32 @!p2 $0x6  }
0x42: {  	_ =	swait.ge @!p2 [sflag:s24], $0x4000  }
0x43: {  	p1 =	por p1, p0;
	s26 =	simm.s32 @!p2 $0x15900;
	[sflag:s24] =	ssyncset.done @!p2 $0x0  }
0x44: {  	s25 =	simm.s32 @!p2 $0x0;
	[sflag:s24] =	ssyncadd.s32 @!p2 $0xFFFFC000;
	s24 =	sadd.s32 @!p2 s20, s7  }
0x45: {  	[hbm4b:s24+s25] =	stream.linear.scatter @!p2 [tilespmem:s26], [sflag:$0xD], $0x4000, $0x38;
	[tilespmem:$0x1D900] =	vst v63  }
0x46: {  	s24 =	simm.s32 @!p1 $0x9  }
0x47: {  	_ =	swait.ge @!p1 [sflag:s24], $0x4000  }
0x48: {  	[sflag:s24] =	ssyncset.done @!p1 $0x0  }
0x49: {  	[sflag:s24] =	ssyncadd.s32 @!p1 $0xFFFFC000;
	s24 =	sshra.s32 @!p1 s21, $0x2  }
0x4a: {  	s28 =	simm.s32 @!p1 $0x5900;
	s26 =	simm.s32 @!p1 $0x80;
	s25 =	sadd.s32 @!p1 $0x400, s24  }
0x4b: {  	[tilespmem:s28], [sflag:$0x2] =	stream.indirect.gather @!p1 [hbm4b:s2+s26], $0x80, s25, s26, $0xb8;
	[tilespmem:$0x1D900] =	vst v63  }
0x4c: {  	s25 =	simm.s32 @!p1 $0x6  }
0x4d: {  	_ =	swait.ge @!p1 [sflag:s25], $0x4000  }
0x4e: {  	s5 =	simm.s32 @!p1 $0x15900;
	[sflag:s25] =	ssyncset.done @!p1 $0x0  }
0x4f: {  	s28 =	simm.s32 @!p1 $0x0;
	[sflag:s25] =	ssyncadd.s32 @!p1 $0xFFFFC000;
	s25 =	sadd.s32 @!p1 s20, s7  }
0x50: {  	[hbm4b:s25+s28] =	stream.linear.scatter @!p1 [tilespmem:s5], [sflag:$0xD], $0x4000, $0x38;
	[tilespmem:$0x1D900] =	vst v63  }
0x51: {  	s25 =	simm.s32 @!p1 $0xA  }
0x52: {  	_ =	swait.ge @!p1 [sflag:s25], $0x4000  }
0x53: {  	[sflag:s25] =	ssyncset.done @!p1 $0x0  }
0x54: {  	s28 =	simm.s32 @!p1 $0x9900;
	[sflag:s25] =	ssyncadd.s32 @!p1 $0xFFFFC000;
	s25 =	sadd.s32 @!p1 $0x480, s24  }
0x55: {  	[tilespmem:s28], [sflag:$0x3] =	stream.indirect.gather @!p1 [hbm4b:s2+s26], $0x80, s25, s26, $0xb8;
	[tilespmem:$0x1D900] =	vst v63  }
0x56: {  	s25 =	simm.s32 @!p0 $0x7  }
0x57: {  	_ =	swait.ge @!p0 [sflag:s25], $0x4000  }
0x58: {  	[sflag:s25] =	ssyncset.done @!p0 $0x0  }
0x59: {  	s28 =	simm.s32 @!p0 $0x19900;
	[sflag:s25] =	ssyncadd.s32 @!p0 $0xFFFFC000;
	s25 =	sadd.s32 @!p0 s20, s8  }
0x5a: {  	[hbm4b:s25+s23] =	stream.linear.scatter @!p0 [tilespmem:s28], [sflag:$0xE], $0x4000, $0x38;
	[tilespmem:$0x1D900] =	vst v63  }
0x5b: {  	s23 =	simm.s32 @!p1 $0xB  }
0x5c: {  	_ =	swait.ge @!p1 [sflag:s23], $0x4000  }
0x5d: {  	[sflag:s23] =	ssyncset.done @!p1 $0x0  }
0x5e: {  	s25 =	simm.s32 @!p1 $0xD900;
	[sflag:s23] =	ssyncadd.s32 @!p1 $0xFFFFC000;
	s23 =	sadd.s32 @!p1 $0x500, s24  }
0x5f: {  	[tilespmem:s25], [sflag:$0x4] =	stream.indirect.gather @!p1 [hbm4b:s2+s26], $0x80, s23, s26, $0xb8;
	[tilespmem:$0x1D900] =	vst v63  }
0x60: {  	s23 =	simm.s32 @!p1 $0xC  }
0x61: {  	_ =	swait.ge @!p1 [sflag:s23], $0x4000  }
0x62: {  	[sflag:s23] =	ssyncset.done @!p1 $0x0  }
0x63: {  	s25 =	simm.s32 @!p1 $0x11900;
	[sflag:s23] =	ssyncadd.s32 @!p1 $0xFFFFC000;
	s23 =	sadd.s32 @!p1 $0x580, s24  }
0x64: {  	[tilespmem:s25], [sflag:$0x5] =	stream.indirect.gather @!p1 [hbm4b:s2+s26], $0x80, s23, s26, $0xb8;
	[tilespmem:$0x1D900] =	vst v63  }
0x65: {  	s23 =	simm.s32 @!p1 $0xD  }
0x66: {  	_ =	swait.ge @!p1 [sflag:s23], $0x4000  }
0x67: {  	[sflag:s23] =	ssyncset.done @!p1 $0x0  }
0x68: {  	[sflag:s23] =	ssyncadd.s32 @!p1 $0xFFFFC000;
	s23 =	sadd.s32 @!p1 $0x600, s24  }
0x69: {  	[tilespmem:s5], [sflag:$0x6] =	stream.indirect.gather @!p1 [hbm4b:s2+s26], $0x80, s23, s26, $0xb8;
	[tilespmem:$0x1D900] =	vst v63  }
0x6a: {  	s5 =	simm.s32 @!p1 $0xE  }
0x6b: {  	_ =	swait.ge @!p1 [sflag:s5], $0x4000  }
0x6c: {  	s21 =	sadd.s32 @!p0 $0xE00, s21;
	[sflag:s5] =	ssyncset.done @!p1 $0x0  }
0x6d: {  	s23 =	simm.s32 @!p1 $0x19900;
	[sflag:s5] =	ssyncadd.s32 @!p1 $0xFFFFC000;
	s5 =	sadd.s32 @!p1 $0x680, s24  }
0x6e: {  	[tilespmem:s23], [sflag:$0x7] =	stream.indirect.gather @!p1 [hbm4b:s2+s26], $0x80, s5, s26, $0xb8;
	[tilespmem:$0x1D900] =	vst v63  }
0x6f: {  	p1 =	sne.s32 @!p0 s21, $0x7000  }
0x70: {  	p1 =	por p0, !p1  }
.Ltmp0:
0x71: {  	_ = 	snop;
	(pc) =	sbr.rel @!p1 .LBB2_2-.Ltmp0, $2  }
0x72: {  	_ =	sdelay $0x2  }
0x73: {  	s22 =	sadd.s32 @!p0 $0x1, s22;
	s20 =	sadd.s32 @!p0 $0x70000, s20  }
0x74: {  	_ =	swait.ge [sflag:s30], $0x4000  }
0x75: {  	[sflag:s30] =	ssyncset.done $0x0  }
0x76: {  	[sflag:s30] =	ssyncadd.s32 $0xFFFFC000  }
0x77: {  	_ =	swait.ge [sflag:s31], $0x4000  }
0x78: {  	[sflag:s31] =	ssyncset.done $0x0  }
0x79: {  	[sflag:s31] =	ssyncadd.s32 $0xFFFFC000  }
0x7a: {  	_ =	swait.ge [sflag:s1], $0x4000  }
0x7b: {  	[sflag:s1] =	ssyncset.done $0x0  }
0x7c: {  	[sflag:s1] =	ssyncadd.s32 $0xFFFFC000  }
0x7d: {  	_ =	swait.ge [sflag:s0], $0x4000  }
0x7e: {  	[sflag:s0] =	ssyncset.done $0x0  }
0x7f: {  	[sflag:s0] =	ssyncadd.s32 $0xFFFFC000  }
0x80: {  	_ =	swait.ge [sflag:s3], $0x4000  }
0x81: {  	[sflag:s3] =	ssyncset.done $0x0  }
0x82: {  	s19 =	sadd.s32 $0x1, s19;
	[sflag:s3] =	ssyncadd.s32 $0xFFFFC000  }
0x83: {  	p0 =	sne.s32 s19, s6;
	_ =	swait.ge [sflag:s17], $0x4000  }
.Ltmp1:
0x84: {  	[sflag:s17] =	ssyncset.done $0x0;
	(pc) =	sbr.rel @p0 .LBB2_1-.Ltmp1, $4  }
0x85: {  	[sflag:s17] =	ssyncadd.s32 $0xFFFFC000  }
0x86: {  	_ =	swait.ge [sflag:s18], $0x4000  }
0x87: {  	[sflag:s18] =	ssyncset.done $0x0  }
0x88: {  	[sflag:s18] =	ssyncadd.s32 $0xFFFFC000  }
0x89: {  	_ =	sfence.sel $0x180000  }
0x8a: {  	[bflag:$0x0] =	sbarrier.arrive $0xFFFF  }
0x8b: {  	_ =	strace $0x90000047  }
0x8c: {  	s0 =	stileid.u32;
	[bflag:$0x2] =	sbarrier.arrive $0xFFFF  }
0x8d: {  	p0 =	sne.s32 s0, $0x0;
	s0 =	rddreg [dreg:$0x3]  }
0x8e: {  	s0 =	sadd.s32 @!p0 $0x100000, s0  }
0x8f: {  	[sflag:s0] =	ssyncadd.tile.s32 @!p0 $0x1;
	_ =	shalt  }
.Lfunc_end2:
_tile_overlayer_lowered:
.L_overlay_start_2:
0x90: {  	(tag) =	ssettag $0x2  }
0x91: {  	s0 =	rddreg [dreg:$0x0];
	s2 =	stileid.u32  }
0x92: {  	s1 =	rddreg [dreg:$0x1];
	p0 =	sne.s32 s2, $0x0  }
0x93: {  	s3 =	rddreg [dreg:$0x2];
	[bflag:$0x3] =	sbarrier.arrive $0xFFFF;
	s2 =	simm.s32 @!p0 $0x1C0F  }
0x94: {  	[timem:s3], [sflag:s2] =	dma.local @!p0 [hbm:s0], s1  }
0x95: {  	s0 =	simm.s32 @!p0 $0xF  }
0x96: {  	_ =	swait.ge @!p0 [sflag:s0], s1  }
0x97: {  	s1 =	ssub.s32 @!p0 $0x0, s1;
	[sflag:s0] =	ssyncset.done @!p0 $0x0  }
0x98: {  	[sflag:s0] =	ssyncadd.s32 @!p0 s1  }
0x99: {  	[bflag:$0x3] =	sbarrier.arrive $0xFFFF  }
0x9a: {  	_ =	shalt  }

</sc_bundles>
